<compile_context>
chip_gen: v7x
topology: tpu7x:2x2x1
jax: 0.10.2.dev20260603
libtpu: 0.0.44.dev20260713+nightly
codegen_flags: <defaults>
</compile_context>

<pallas_src>
import functools

import jax
import jax.numpy as jnp
from jax import lax
from jax.experimental import pallas as pl
from jax.experimental.pallas import tpu as pltpu
from jax.experimental.pallas import tpu_sc as plsc

NC = 2
NS = 16
NW = NC * NS
CHUNK = 128


def _cdiv(a, b):
    return (a + b - 1) // b


def _sc_degree(col3, np_rows, per_tile, k_chunks):
    mesh = plsc.VectorSubcoreMesh(core_axis_name="c", subcore_axis_name="s")

    @functools.partial(
        pl.kernel,
        out_type=jax.ShapeDtypeStruct((NC * np_rows,), jnp.float32),
        mesh=mesh,
        compiler_params=pltpu.CompilerParams(use_tc_tiling_on_sc=False),
        scratch_types=[
            pltpu.VMEM((k_chunks, CHUNK), jnp.int32),
            pltpu.VMEM((CHUNK,), jnp.float32),
            pltpu.VMEM((per_tile,), jnp.float32),
            pltpu.VMEM_SHARED((np_rows,), jnp.float32),
        ],
    )
    def k(col_hbm, out_hbm, colv, onesv, zv, deg_sh):
        c = lax.axis_index("c")
        s = lax.axis_index("s")
        wid = c * NS + s
        ones16 = jnp.ones((16,), jnp.float32)
        zeros16 = jnp.zeros((16,), jnp.float32)
        for i in range(CHUNK // 16):
            onesv[pl.ds(i * 16, 16)] = ones16

        def zb(i, carry):
            zv[pl.ds(i * 16, 16)] = zeros16
            return carry

        lax.fori_loop(0, per_tile // 16, zb, 0)
        pltpu.sync_copy(zv, deg_sh.at[pl.ds(s * per_tile, per_tile)])
        plsc.subcore_barrier()
        pltpu.sync_copy(col_hbm.at[wid], colv)

        def body(j, carry):
            pltpu.sync_copy(onesv, deg_sh.at[colv.at[j]], add=True)
            return carry

        lax.fori_loop(0, k_chunks, body, 0)
        plsc.subcore_barrier()
        pltpu.sync_copy(deg_sh.at[pl.ds(s * per_tile, per_tile)], zv)
        pltpu.sync_copy(zv, out_hbm.at[pl.ds(c * np_rows + s * per_tile,
                                             per_tile)])

    return k(col3).reshape(NC, np_rows)


def _sc_scatter(y, row3, col3, np_rows, per_tile, k_chunks, h):
    mesh = plsc.VectorSubcoreMesh(core_axis_name="c", subcore_axis_name="s")

    @functools.partial(
        pl.kernel,
        out_type=jax.ShapeDtypeStruct((NC, np_rows, h), jnp.float32),
        mesh=mesh,
        compiler_params=pltpu.CompilerParams(use_tc_tiling_on_sc=False),
        scratch_types=[
            pltpu.VMEM((k_chunks, CHUNK), jnp.int32),
            pltpu.VMEM((k_chunks, CHUNK), jnp.int32),
            pltpu.VMEM((CHUNK, h), jnp.float32),
            pltpu.VMEM((per_tile, h), jnp.float32),
            pltpu.VMEM_SHARED((np_rows, h), jnp.float32),
            pltpu.VMEM_SHARED((np_rows, h), jnp.float32),
        ],
    )
    def k(y_hbm, row_hbm, col_hbm, out_hbm, rowv, colv, rbuf, zbuf, acc_sh,
          y_sh):
        c = lax.axis_index("c")
        s = lax.axis_index("s")
        wid = c * NS + s
        zeros16 = jnp.zeros((16,), jnp.float32)

        def zb(i, carry):
            for t in range(h // 16):
                zbuf[i, pl.ds(t * 16, 16)] = zeros16
            return carry

        lax.fori_loop(0, per_tile, zb, 0)
        pltpu.sync_copy(zbuf, acc_sh.at[pl.ds(s * per_tile, per_tile)])
        pltpu.sync_copy(y_hbm.at[pl.ds(s * per_tile, per_tile)], zbuf)
        pltpu.sync_copy(zbuf, y_sh.at[pl.ds(s * per_tile, per_tile)])
        plsc.subcore_barrier()
        pltpu.sync_copy(row_hbm.at[wid], rowv)
        pltpu.sync_copy(col_hbm.at[wid], colv)

        def body(j, carry):
            pltpu.sync_copy(y_sh.at[rowv.at[j]], rbuf)
            pltpu.sync_copy(rbuf, acc_sh.at[colv.at[j]], add=True)
            return carry

        lax.fori_loop(0, k_chunks, body, 0)
        plsc.subcore_barrier()
        pltpu.sync_copy(acc_sh.at[pl.ds(s * per_tile, per_tile)], zbuf)
        pltpu.sync_copy(zbuf, out_hbm.at[c, pl.ds(s * per_tile, per_tile)])

    return k(y, row3, col3)


def _prescale_body(x_ref, w_ref, degp_ref, y_ref, dis_ref):
    xw = jnp.dot(x_ref[...], w_ref[...], preferred_element_type=jnp.float32)
    deg = degp_ref[0] + degp_ref[1] + 1.0
    dis = lax.rsqrt(deg)
    dis_ref[...] = dis
    y_ref[...] = xw * dis


def _tc_prescale(x, w_gc, degp3, bn):
    n, d = x.shape
    h = w_gc.shape[1]
    g = n // bn
    return pl.pallas_call(
        _prescale_body,
        grid=(g,),
        in_specs=[
            pl.BlockSpec((bn, d), lambda i: (i, 0)),
            pl.BlockSpec((d, h), lambda i: (0, 0)),
            pl.BlockSpec((NC, bn, 1), lambda i: (0, i, 0)),
        ],
        out_specs=[
            pl.BlockSpec((bn, h), lambda i: (i, 0)),
            pl.BlockSpec((bn, 1), lambda i: (i, 0)),
        ],
        out_shape=[
            jax.ShapeDtypeStruct((n, h), jnp.float32),
            jax.ShapeDtypeStruct((n, 1), jnp.float32),
        ],
    )(x, w_gc, degp3)


def _make_heads_body(bn, bq, g):
    def body(accp_ref, y_ref, dis_ref, batch_ref, bgc_ref, eps_ref,
             wmu_ref, bmu_ref, wlv_ref, blv_ref, wdec_ref, bdec_ref,
             adj_ref, mu_ref, lv_ref, sums, cnt):
        i = pl.program_id(0)

        @pl.when(i == 0)
        def _():
            sums[...] = jnp.zeros_like(sums)
            cnt[...] = jnp.zeros_like(cnt)

        acc = accp_ref[0] + accp_ref[1]
        hrow = jnp.maximum(
            dis_ref[...] * (acc + y_ref[...]) + bgc_ref[...], 0.0)
        bt = batch_ref[0]
        onehot_t = (lax.broadcasted_iota(jnp.int32, (bq, bn), 0) == bt
                    ).astype(jnp.float32)
        sums[...] += jnp.dot(onehot_t, hrow,
                             preferred_element_type=jnp.float32,
                             precision=lax.Precision.HIGHEST)
        cnt[...] += jnp.dot(onehot_t, jnp.ones((bn, 1), jnp.float32),
                            preferred_element_type=jnp.float32,
                            precision=lax.Precision.HIGHEST)

        @pl.when(i == g - 1)
        def _():
            hm = sums[...] / jnp.maximum(cnt[...], 1.0)
            mu = jnp.dot(hm, wmu_ref[...],
                         preferred_element_type=jnp.float32) + bmu_ref[...]
            lv = jnp.dot(hm, wlv_ref[...],
                         preferred_element_type=jnp.float32) + blv_ref[...]
            std = jnp.exp(0.5 * lv)
            z = mu + eps_ref[...] * std
            logits = jnp.dot(z, wdec_ref[...],
                             preferred_element_type=jnp.float32) + bdec_ref[...]
            adj_ref[...] = (logits > 0.0).astype(jnp.float32)
            mu_ref[...] = mu
            lv_ref[...] = lv

    return body


def _tc_heads(accp, y, dis, batch3, b_gc, eps, w_mu, b_mu, w_lv, b_lv,
              w_dec, b_dec, bn, bq):
    n, h = y.shape
    z = w_mu.shape[1]
    a = w_dec.shape[1]
    g = n // bn
    full = lambda shape: pl.BlockSpec(shape, lambda i: tuple(0 for _ in shape))
    return pl.pallas_call(
        _make_heads_body(bn, bq, g),
        grid=(g,),
        in_specs=[
            pl.BlockSpec((NC, bn, h), lambda i: (0, i, 0)),
            pl.BlockSpec((bn, h), lambda i: (i, 0)),
            pl.BlockSpec((bn, 1), lambda i: (i, 0)),
            pl.BlockSpec((1, 1, bn), lambda i: (i, 0, 0)),
            full((h,)),
            full((bq, z)),
            full((h, z)),
            full((z,)),
            full((h, z)),
            full((z,)),
            full((z, a)),
            full((a,)),
        ],
        out_specs=[
            full((bq, a)),
            full((bq, z)),
            full((bq, z)),
        ],
        out_shape=[
            jax.ShapeDtypeStruct((bq, a), jnp.float32),
            jax.ShapeDtypeStruct((bq, z), jnp.float32),
            jax.ShapeDtypeStruct((bq, z), jnp.float32),
        ],
        scratch_shapes=[
            pltpu.VMEM((bq, h), jnp.float32),
            pltpu.VMEM((bq, 1), jnp.float32),
        ],
    )(accp, y, dis, batch3, b_gc, eps, w_mu, b_mu, w_lv, b_lv, w_dec, b_dec)


def kernel(x, edge_index, batch, W_gc, b_gc, W_mu, b_mu, W_lv, b_lv,
           W_dec, b_dec):
    n, d = x.shape
    h = W_gc.shape[1]
    z = W_mu.shape[1]
    e = edge_index.shape[1]
    bq = 512
    bn = 1000

    k_chunks = _cdiv(e, NW * CHUNK)
    e_pad = NW * k_chunks * CHUNK
    pad = e_pad - e
    row = edge_index[0].astype(jnp.int32)
    col = edge_index[1].astype(jnp.int32)
    if pad:
        row = jnp.concatenate([row, jnp.zeros((pad,), jnp.int32)])
        col = jnp.concatenate([col, jnp.full((pad,), n, jnp.int32)])
    row3 = row.reshape(NW, k_chunks, CHUNK)
    col3 = col.reshape(NW, k_chunks, CHUNK)

    per_tile = _cdiv(n + 1, NS * 16) * 16
    np_rows = NS * per_tile

    degp = _sc_degree(col3, np_rows, per_tile, k_chunks)
    degp3 = degp[:, :, None]
    y, dis = _tc_prescale(x, W_gc, degp3, bn)
    y_pad = jnp.concatenate([y, jnp.zeros((np_rows - n, h), jnp.float32)])
    accp = _sc_scatter(y_pad, row3, col3, np_rows, per_tile, k_chunks, h)

    eps = jax.random.normal(jax.random.key(42), (bq, z), jnp.float32)
    batch3 = batch.astype(jnp.int32).reshape(n // bn, 1, bn)
    adj_flat, mu, logvar = _tc_heads(
        accp, y, dis, batch3, b_gc, eps, W_mu, b_mu, W_lv, b_lv,
        W_dec, b_dec, bn, bq)
    adj = adj_flat.reshape(-1, 10, 10)
    return adj, mu, logvar

# --- scband reference (transcript-rebuilt; emitter-appended) ---
"""Pipeline reference for scband-legacy-gvae-83872121356775 (READ-ONLY COPY).

The authoritative reference and input builder live on the scoring server;
editing this copy changes nothing except your own understanding.
"""

import jax, jax.numpy as jnp
import numpy as np

N = 10000
E = 320000
D = 128
H = 32
Z = 8
B = 512


def setup_inputs(seed: int = 0) -> dict:
    key = jax.random.key(seed)
    ks = jax.random.split(key, 12)
    x = jax.random.normal(ks[0], (N, D), dtype=jnp.float32)
    edge_index = jax.random.randint(ks[1], (2, E), 0, N)
    batch = jnp.sort(jax.random.randint(ks[2], (N,), 0, B))
    # GCNConv params (glorot weight, zero bias like PyG defaults)
    lim = float(np.sqrt(6.0 / (D + H)))
    W_gc = jax.random.uniform(ks[3], (D, H), jnp.float32, -lim, lim)
    b_gc = jnp.zeros((H,), jnp.float32)
    # Linear layers (kaiming-uniform-ish)
    lim_mu = float(1.0 / np.sqrt(H))
    W_mu = jax.random.uniform(ks[4], (H, Z), jnp.float32, -lim_mu, lim_mu)
    b_mu = jax.random.uniform(ks[5], (Z,), jnp.float32, -lim_mu, lim_mu)
    W_lv = jax.random.uniform(ks[6], (H, Z), jnp.float32, -lim_mu, lim_mu)
    b_lv = jax.random.uniform(ks[7], (Z,), jnp.float32, -lim_mu, lim_mu)
    lim_dec = float(1.0 / np.sqrt(Z))
    W_dec = jax.random.uniform(ks[8], (Z, 100), jnp.float32, -lim_dec, lim_dec)
    b_dec = jax.random.uniform(ks[9], (100,), jnp.float32, -lim_dec, lim_dec)
    return {"x": x, "edge_index": edge_index, "batch": batch,
            "W_gc": W_gc, "b_gc": b_gc, "W_mu": W_mu, "b_mu": b_mu,
            "W_lv": W_lv, "b_lv": b_lv, "W_dec": W_dec, "b_dec": b_dec}


def _gcn_conv(x, edge_index, W, b):
    # PyG GCNConv: add self-loops, symmetric normalization, linear, scatter-add, bias
    n = x.shape[0]
    loop = jnp.arange(n, dtype=edge_index.dtype)
    row = jnp.concatenate([edge_index[0], loop])
    col = jnp.concatenate([edge_index[1], loop])
    xw = x @ W
    deg = jnp.zeros((n,), jnp.float32).at[col].add(1.0)
    deg_inv_sqrt = jnp.where(deg > 0, deg ** -0.5, 0.0)
    norm = deg_inv_sqrt[row] * deg_inv_sqrt[col]
    msgs = xw[row] * norm[:, None]
    out = jnp.zeros((n, W.shape[1]), jnp.float32).at[col].add(msgs)
    return out + b


def reference(x, edge_index, batch, W_gc, b_gc, W_mu, b_mu, W_lv, b_lv, W_dec, b_dec):
    h = jax.nn.relu(_gcn_conv(x, edge_index, W_gc, b_gc))
    # global_mean_pool over batch ids
    sums = jnp.zeros((B, H), jnp.float32).at[batch].add(h)
    cnt = jnp.zeros((B,), jnp.float32).at[batch].add(1.0)
    hm = sums / jnp.maximum(cnt, 1.0)[:, None]
    mu = hm @ W_mu + b_mu
    logvar = hm @ W_lv + b_lv
    std = jnp.exp(0.5 * logvar)
    eps = jax.random.normal(jax.random.key(42), std.shape, jnp.float32)
    z = mu + eps * std
    adj_logits = (z @ W_dec + b_dec).reshape(-1, 10, 10)
    adj = (jax.nn.sigmoid(adj_logits) > 0.5).astype(jnp.float32)
    return adj, mu, logvar

if __name__ == "__main__":
    import jax
    _d = setup_inputs()
    print(jax.jit(kernel)(*tuple(_d.values())))

</pallas_src>

<mosaic_0001>
#map = affine_map<(d0, d1) -> (0, 0)>
#map1 = affine_map<(d0, d1) -> (0, 0, 0)>
module attributes {stable_mosaic.version = 14 : i64} {
  func.func @k(%arg0: i32, %arg1: i32, %arg2: memref<10240x32xf32, #tpu.memory_space<hbm>>, %arg3: memref<32x79x128xi32, #tpu.memory_space<hbm>>, %arg4: memref<32x79x128xi32, #tpu.memory_space<hbm>>, %arg5: memref<2x10240x32xf32, #tpu.memory_space<hbm>>, %arg6: memref<79x128xi32, #tpu.memory_space<vmem>>, %arg7: memref<79x128xi32, #tpu.memory_space<vmem>>, %arg8: memref<128x32xf32, #tpu.memory_space<vmem>>, %arg9: memref<640x32xf32, #tpu.memory_space<vmem>>, %arg10: memref<10240x32xf32, #tpu.memory_space<vmem_shared>>, %arg11: memref<10240x32xf32, #tpu.memory_space<vmem_shared>>) attributes {dimension_semantics = [#tpu.dimension_semantics<core_parallel>, #tpu.dimension_semantics<subcore_parallel>], iteration_bounds = array<i64: 2, 16>, scalar_prefetch = 0 : i64, scratch_operands = 6 : i64, tpu.core_type = #tpu.core_type<sc_vector_subcore>, window_params = [{transform_indices = #map}, {transform_indices = #map1}, {transform_indices = #map1}, {transform_indices = #map1}]} {
    %mul3A = arith.constant 16 : i32
    %mul3A_0 = arith.muli %arg0, %mul3A : i32
    %add3A = arith.addi %mul3A_0, %arg1 : i32
    %broadcast_in_dim3A = arith.constant 0.000000e+00 : f32
    %broadcast_in_dim3A_1 = vector.broadcast %broadcast_in_dim3A : f32 to vector<16xf32>
    %scan3A = arith.constant 0 : i32
    %scan3A_2 = arith.constant 0 : i32
    %scan3A_3 = arith.constant 640 : i32
    %scan3A_4 = arith.addi %scan3A_2, %scan3A_3 : i32
    %scan3A_5 = arith.constant 1 : i32
    scf.for %scan3A_24 = %scan3A_2 to %scan3A_4 step %scan3A_5  : i32 {
      %swap3A = arith.index_cast %scan3A_24 : i32 to index
      %swap3A_25 = arith.constant 0 : index
      %swap3A_26 = tpu.vector_load %arg9[%swap3A, %swap3A_25] {strides = array<i32>} : memref<640x32xf32, #tpu.memory_space<vmem>>, vector<1x16xf32>,
      %swap3A_27 = vector.shape_cast %swap3A_26 : vector<1x16xf32> to vector<16xf32>
      %swap3A_28 = vector.shape_cast %broadcast_in_dim3A_1 : vector<16xf32> to vector<1x16xf32>
      tpu.vector_store %arg9[%swap3A, %swap3A_25], %swap3A_28 {strides = array<i32>} : memref<640x32xf32, #tpu.memory_space<vmem>>, vector<1x16xf32>,
      %swap3A_29 = arith.index_cast %scan3A_24 : i32 to index
      %swap3A_30 = arith.constant 16 : index
      %swap3A_31 = tpu.vector_load %arg9[%swap3A_29, %swap3A_30] {strides = array<i32>} : memref<640x32xf32, #tpu.memory_space<vmem>>, vector<1x16xf32>,
      %swap3A_32 = vector.shape_cast %swap3A_31 : vector<1x16xf32> to vector<16xf32>
      %swap3A_33 = vector.shape_cast %broadcast_in_dim3A_1 : vector<16xf32> to vector<1x16xf32>
      tpu.vector_store %arg9[%swap3A_29, %swap3A_30], %swap3A_33 {strides = array<i32>} : memref<640x32xf32, #tpu.memory_space<vmem>>, vector<1x16xf32>,
    }
    %scan3A_6 = arith.constant 640 : i32
    %mul3A_7 = arith.constant 640 : i32
    %mul3A_8 = arith.muli %arg1, %mul3A_7 : i32
    "tpu.region"() ({
      %run_scoped3A = tpu.sem_alloc : memref<!tpu.dma_semaphore, #tpu.memory_space<semaphore_mem>>
      %dma_start3A = arith.constant 0 : i32
      %dma_start3A_24 = tpu.memref_slice %arg10[%mul3A_8, %dma_start3A] : memref<10240x32xf32, #tpu.memory_space<vmem_shared>> -> memref<640x32xf32, #tpu.memory_space<vmem_shared>>
      %dma_start3A_25 = arith.constant 0 : i32
      %dma_start3A_26 = tpu.memref_slice %arg10[%mul3A_8, %dma_start3A_25] : memref<10240x32xf32, #tpu.memory_space<vmem_shared>> -> memref<640x32xf32, #tpu.memory_space<vmem_shared>>
      tpu.enqueue_dma source(%arg9 : memref<640x32xf32, #tpu.memory_space<vmem>>) target(%dma_start3A_26 : memref<640x32xf32, #tpu.memory_space<vmem_shared>>) target_semaphore(%run_scoped3A : memref<!tpu.dma_semaphore, #tpu.memory_space<semaphore_mem>>)
      %dma_wait3A = arith.constant 0 : i32
      %dma_wait3A_27 = tpu.memref_slice %arg10[%mul3A_8, %dma_wait3A] : memref<10240x32xf32, #tpu.memory_space<vmem_shared>> -> memref<640x32xf32, #tpu.memory_space<vmem_shared>>
      %dma_wait3A_28 = arith.constant 0 : i32
      %dma_wait3A_29 = tpu.memref_slice %arg10[%mul3A_8, %dma_wait3A_28] : memref<10240x32xf32, #tpu.memory_space<vmem_shared>> -> memref<640x32xf32, #tpu.memory_space<vmem_shared>>
      tpu.wait_dma2 semaphore(%run_scoped3A : memref<!tpu.dma_semaphore, #tpu.memory_space<semaphore_mem>>) src(%arg9 : memref<640x32xf32, #tpu.memory_space<vmem>>) dst(%dma_wait3A_29 : memref<640x32xf32, #tpu.memory_space<vmem_shared>>)
      tpu.yield
    }) : () -> ()
    %mul3A_9 = arith.constant 640 : i32
    %mul3A_10 = arith.muli %arg1, %mul3A_9 : i32
    "tpu.region"() ({
      %run_scoped3A = tpu.sem_alloc : memref<!tpu.dma_semaphore, #tpu.memory_space<semaphore_mem>>
      %dma_start3A = arith.constant 0 : i32
      %dma_start3A_24 = tpu.memref_slice %arg2[%mul3A_10, %dma_start3A] : memref<10240x32xf32, #tpu.memory_space<hbm>> -> memref<640x32xf32, #tpu.memory_space<hbm>>
      %dma_start3A_25 = arith.constant 0 : i32
      %dma_start3A_26 = tpu.memref_slice %arg2[%mul3A_10, %dma_start3A_25] : memref<10240x32xf32, #tpu.memory_space<hbm>> -> memref<640x32xf32, #tpu.memory_space<hbm>>
      tpu.enqueue_dma source(%dma_start3A_26 : memref<640x32xf32, #tpu.memory_space<hbm>>) target(%arg9 : memref<640x32xf32, #tpu.memory_space<vmem>>) target_semaphore(%run_scoped3A : memref<!tpu.dma_semaphore, #tpu.memory_space<semaphore_mem>>)
      %dma_wait3A = arith.constant 0 : i32
      %dma_wait3A_27 = tpu.memref_slice %arg2[%mul3A_10, %dma_wait3A] : memref<10240x32xf32, #tpu.memory_space<hbm>> -> memref<640x32xf32, #tpu.memory_space<hbm>>
      %dma_wait3A_28 = arith.constant 0 : i32
      %dma_wait3A_29 = tpu.memref_slice %arg2[%mul3A_10, %dma_wait3A_28] : memref<10240x32xf32, #tpu.memory_space<hbm>> -> memref<640x32xf32, #tpu.memory_space<hbm>>
      tpu.wait_dma2 semaphore(%run_scoped3A : memref<!tpu.dma_semaphore, #tpu.memory_space<semaphore_mem>>) src(%dma_wait3A_29 : memref<640x32xf32, #tpu.memory_space<hbm>>) dst(%arg9 : memref<640x32xf32, #tpu.memory_space<vmem>>)
      tpu.yield
    }) : () -> ()
    %mul3A_11 = arith.constant 640 : i32
    %mul3A_12 = arith.muli %arg1, %mul3A_11 : i32
    "tpu.region"() ({
      %run_scoped3A = tpu.sem_alloc : memref<!tpu.dma_semaphore, #tpu.memory_space<semaphore_mem>>
      %dma_start3A = arith.constant 0 : i32
      %dma_start3A_24 = tpu.memref_slice %arg11[%mul3A_12, %dma_start3A] : memref<10240x32xf32, #tpu.memory_space<vmem_shared>> -> memref<640x32xf32, #tpu.memory_space<vmem_shared>>
      %dma_start3A_25 = arith.constant 0 : i32
      %dma_start3A_26 = tpu.memref_slice %arg11[%mul3A_12, %dma_start3A_25] : memref<10240x32xf32, #tpu.memory_space<vmem_shared>> -> memref<640x32xf32, #tpu.memory_space<vmem_shared>>
      tpu.enqueue_dma source(%arg9 : memref<640x32xf32, #tpu.memory_space<vmem>>) target(%dma_start3A_26 : memref<640x32xf32, #tpu.memory_space<vmem_shared>>) target_semaphore(%run_scoped3A : memref<!tpu.dma_semaphore, #tpu.memory_space<semaphore_mem>>)
      %dma_wait3A = arith.constant 0 : i32
      %dma_wait3A_27 = tpu.memref_slice %arg11[%mul3A_12, %dma_wait3A] : memref<10240x32xf32, #tpu.memory_space<vmem_shared>> -> memref<640x32xf32, #tpu.memory_space<vmem_shared>>
      %dma_wait3A_28 = arith.constant 0 : i32
      %dma_wait3A_29 = tpu.memref_slice %arg11[%mul3A_12, %dma_wait3A_28] : memref<10240x32xf32, #tpu.memory_space<vmem_shared>> -> memref<640x32xf32, #tpu.memory_space<vmem_shared>>
      tpu.wait_dma2 semaphore(%run_scoped3A : memref<!tpu.dma_semaphore, #tpu.memory_space<semaphore_mem>>) src(%arg9 : memref<640x32xf32, #tpu.memory_space<vmem>>) dst(%dma_wait3A_29 : memref<640x32xf32, #tpu.memory_space<vmem_shared>>)
      tpu.yield
    }) : () -> ()
    %barrier3A = arith.constant 0 : index
    tpu.barrier barrier_id(%barrier3A)
    "tpu.region"() ({
      %run_scoped3A = tpu.sem_alloc : memref<!tpu.dma_semaphore, #tpu.memory_space<semaphore_mem>>
      %dma_start3A = arith.constant 0 : i32
      %dma_start3A_24 = arith.constant 0 : i32
      %dma_start3A_25 = tpu.memref_slice %arg3[%add3A, %dma_start3A, %dma_start3A_24] : memref<32x79x128xi32, #tpu.memory_space<hbm>> -> memref<1x79x128xi32, #tpu.memory_space<hbm>>
      %dma_start3A_26 = tpu.memref_squeeze %dma_start3A_25 : memref<1x79x128xi32, #tpu.memory_space<hbm>> -> memref<79x128xi32, #tpu.memory_space<hbm>>
      %dma_start3A_27 = arith.constant 0 : i32
      %dma_start3A_28 = arith.constant 0 : i32
      %dma_start3A_29 = tpu.memref_slice %arg3[%add3A, %dma_start3A_27, %dma_start3A_28] : memref<32x79x128xi32, #tpu.memory_space<hbm>> -> memref<1x79x128xi32, #tpu.memory_space<hbm>>
      %dma_start3A_30 = tpu.memref_squeeze %dma_start3A_29 : memref<1x79x128xi32, #tpu.memory_space<hbm>> -> memref<79x128xi32, #tpu.memory_space<hbm>>
      tpu.enqueue_dma source(%dma_start3A_30 : memref<79x128xi32, #tpu.memory_space<hbm>>) target(%arg6 : memref<79x128xi32, #tpu.memory_space<vmem>>) target_semaphore(%run_scoped3A : memref<!tpu.dma_semaphore, #tpu.memory_space<semaphore_mem>>)
      %dma_wait3A = arith.constant 0 : i32
      %dma_wait3A_31 = arith.constant 0 : i32
      %dma_wait3A_32 = tpu.memref_slice %arg3[%add3A, %dma_wait3A, %dma_wait3A_31] : memref<32x79x128xi32, #tpu.memory_space<hbm>> -> memref<1x79x128xi32, #tpu.memory_space<hbm>>
      %dma_wait3A_33 = tpu.memref_squeeze %dma_wait3A_32 : memref<1x79x128xi32, #tpu.memory_space<hbm>> -> memref<79x128xi32, #tpu.memory_space<hbm>>
      %dma_wait3A_34 = arith.constant 0 : i32
      %dma_wait3A_35 = arith.constant 0 : i32
      %dma_wait3A_36 = tpu.memref_slice %arg3[%add3A, %dma_wait3A_34, %dma_wait3A_35] : memref<32x79x128xi32, #tpu.memory_space<hbm>> -> memref<1x79x128xi32, #tpu.memory_space<hbm>>
      %dma_wait3A_37 = tpu.memref_squeeze %dma_wait3A_36 : memref<1x79x128xi32, #tpu.memory_space<hbm>> -> memref<79x128xi32, #tpu.memory_space<hbm>>
      tpu.wait_dma2 semaphore(%run_scoped3A : memref<!tpu.dma_semaphore, #tpu.memory_space<semaphore_mem>>) src(%dma_wait3A_37 : memref<79x128xi32, #tpu.memory_space<hbm>>) dst(%arg6 : memref<79x128xi32, #tpu.memory_space<vmem>>)
      tpu.yield
    }) : () -> ()
    "tpu.region"() ({
      %run_scoped3A = tpu.sem_alloc : memref<!tpu.dma_semaphore, #tpu.memory_space<semaphore_mem>>
      %dma_start3A = arith.constant 0 : i32
      %dma_start3A_24 = arith.constant 0 : i32
      %dma_start3A_25 = tpu.memref_slice %arg4[%add3A, %dma_start3A, %dma_start3A_24] : memref<32x79x128xi32, #tpu.memory_space<hbm>> -> memref<1x79x128xi32, #tpu.memory_space<hbm>>
      %dma_start3A_26 = tpu.memref_squeeze %dma_start3A_25 : memref<1x79x128xi32, #tpu.memory_space<hbm>> -> memref<79x128xi32, #tpu.memory_space<hbm>>
      %dma_start3A_27 = arith.constant 0 : i32
      %dma_start3A_28 = arith.constant 0 : i32
      %dma_start3A_29 = tpu.memref_slice %arg4[%add3A, %dma_start3A_27, %dma_start3A_28] : memref<32x79x128xi32, #tpu.memory_space<hbm>> -> memref<1x79x128xi32, #tpu.memory_space<hbm>>
      %dma_start3A_30 = tpu.memref_squeeze %dma_start3A_29 : memref<1x79x128xi32, #tpu.memory_space<hbm>> -> memref<79x128xi32, #tpu.memory_space<hbm>>
      tpu.enqueue_dma source(%dma_start3A_30 : memref<79x128xi32, #tpu.memory_space<hbm>>) target(%arg7 : memref<79x128xi32, #tpu.memory_space<vmem>>) target_semaphore(%run_scoped3A : memref<!tpu.dma_semaphore, #tpu.memory_space<semaphore_mem>>)
      %dma_wait3A = arith.constant 0 : i32
      %dma_wait3A_31 = arith.constant 0 : i32
      %dma_wait3A_32 = tpu.memref_slice %arg4[%add3A, %dma_wait3A, %dma_wait3A_31] : memref<32x79x128xi32, #tpu.memory_space<hbm>> -> memref<1x79x128xi32, #tpu.memory_space<hbm>>
      %dma_wait3A_33 = tpu.memref_squeeze %dma_wait3A_32 : memref<1x79x128xi32, #tpu.memory_space<hbm>> -> memref<79x128xi32, #tpu.memory_space<hbm>>
      %dma_wait3A_34 = arith.constant 0 : i32
      %dma_wait3A_35 = arith.constant 0 : i32
      %dma_wait3A_36 = tpu.memref_slice %arg4[%add3A, %dma_wait3A_34, %dma_wait3A_35] : memref<32x79x128xi32, #tpu.memory_space<hbm>> -> memref<1x79x128xi32, #tpu.memory_space<hbm>>
      %dma_wait3A_37 = tpu.memref_squeeze %dma_wait3A_36 : memref<1x79x128xi32, #tpu.memory_space<hbm>> -> memref<79x128xi32, #tpu.memory_space<hbm>>
      tpu.wait_dma2 semaphore(%run_scoped3A : memref<!tpu.dma_semaphore, #tpu.memory_space<semaphore_mem>>) src(%dma_wait3A_37 : memref<79x128xi32, #tpu.memory_space<hbm>>) dst(%arg7 : memref<79x128xi32, #tpu.memory_space<vmem>>)
      tpu.yield
    }) : () -> ()
    %scan3A_13 = arith.constant 0 : i32
    %scan3A_14 = arith.constant 0 : i32
    %scan3A_15 = arith.constant 79 : i32
    %scan3A_16 = arith.addi %scan3A_14, %scan3A_15 : i32
    %scan3A_17 = arith.constant 1 : i32
    scf.for %scan3A_24 = %scan3A_14 to %scan3A_16 step %scan3A_17  : i32 {
      "tpu.region"() ({
        %run_scoped3A = tpu.sem_alloc : memref<!tpu.dma_semaphore, #tpu.memory_space<semaphore_mem>>
        %dma_start3A = arith.constant 0 : i32
        %dma_start3A_25 = tpu.memref_slice %arg6[%scan3A_24, %dma_start3A] : memref<79x128xi32, #tpu.memory_space<vmem>> -> memref<1x128xi32, #tpu.memory_space<vmem>>
        %dma_start3A_26 = tpu.memref_squeeze %dma_start3A_25 : memref<1x128xi32, #tpu.memory_space<vmem>> -> memref<128xi32, #tpu.memory_space<vmem>>
        %dma_start3A_27 = arith.constant 0 : i32
        %dma_start3A_28 = arith.constant 0 : i32
        %dma_start3A_29 = tpu.memref_slice %arg11[%dma_start3A_27, %dma_start3A_28] : memref<10240x32xf32, #tpu.memory_space<vmem_shared>> -> memref<10240x32xf32, #tpu.memory_space<vmem_shared>>
        tpu.enqueue_indirect_dma source(%dma_start3A_29 : memref<10240x32xf32, #tpu.memory_space<vmem_shared>>) target(%arg8 : memref<128x32xf32, #tpu.memory_space<vmem>>) offsets(%dma_start3A_26 : memref<128xi32, #tpu.memory_space<vmem>>) semaphore(%run_scoped3A : memref<!tpu.dma_semaphore, #tpu.memory_space<semaphore_mem>>)
        %dma_wait3A = arith.constant 0 : i32
        %dma_wait3A_30 = tpu.memref_slice %arg6[%scan3A_24, %dma_wait3A] : memref<79x128xi32, #tpu.memory_space<vmem>> -> memref<1x128xi32, #tpu.memory_space<vmem>>
        %dma_wait3A_31 = tpu.memref_squeeze %dma_wait3A_30 : memref<1x128xi32, #tpu.memory_space<vmem>> -> memref<128xi32, #tpu.memory_space<vmem>>
        %dma_wait3A_32 = arith.constant 0 : i32
        %dma_wait3A_33 = arith.constant 0 : i32
        %dma_wait3A_34 = tpu.memref_slice %arg11[%dma_wait3A_32, %dma_wait3A_33] : memref<10240x32xf32, #tpu.memory_space<vmem_shared>> -> memref<10240x32xf32, #tpu.memory_space<vmem_shared>>
        tpu.wait_indirect_dma semaphore(%run_scoped3A : memref<!tpu.dma_semaphore, #tpu.memory_space<semaphore_mem>>) src(%dma_wait3A_34 : memref<10240x32xf32, #tpu.memory_space<vmem_shared>>) dst(%arg8 : memref<128x32xf32, #tpu.memory_space<vmem>>)
        tpu.yield
      }) : () -> ()
      "tpu.region"() ({
        %run_scoped3A = tpu.sem_alloc : memref<!tpu.dma_semaphore, #tpu.memory_space<semaphore_mem>>
        %dma_start3A = arith.constant 0 : i32
        %dma_start3A_25 = tpu.memref_slice %arg7[%scan3A_24, %dma_start3A] : memref<79x128xi32, #tpu.memory_space<vmem>> -> memref<1x128xi32, #tpu.memory_space<vmem>>
        %dma_start3A_26 = tpu.memref_squeeze %dma_start3A_25 : memref<1x128xi32, #tpu.memory_space<vmem>> -> memref<128xi32, #tpu.memory_space<vmem>>
        %dma_start3A_27 = arith.constant 0 : i32
        %dma_start3A_28 = arith.constant 0 : i32
        %dma_start3A_29 = tpu.memref_slice %arg10[%dma_start3A_27, %dma_start3A_28] : memref<10240x32xf32, #tpu.memory_space<vmem_shared>> -> memref<10240x32xf32, #tpu.memory_space<vmem_shared>>
        tpu.enqueue_indirect_dma source(%arg8 : memref<128x32xf32, #tpu.memory_space<vmem>>) target(%dma_start3A_29 : memref<10240x32xf32, #tpu.memory_space<vmem_shared>>) offsets(%dma_start3A_26 : memref<128xi32, #tpu.memory_space<vmem>>) semaphore(%run_scoped3A : memref<!tpu.dma_semaphore, #tpu.memory_space<semaphore_mem>>) {add = true}
        %dma_wait3A = arith.constant 0 : i32
        %dma_wait3A_30 = tpu.memref_slice %arg7[%scan3A_24, %dma_wait3A] : memref<79x128xi32, #tpu.memory_space<vmem>> -> memref<1x128xi32, #tpu.memory_space<vmem>>
        %dma_wait3A_31 = tpu.memref_squeeze %dma_wait3A_30 : memref<1x128xi32, #tpu.memory_space<vmem>> -> memref<128xi32, #tpu.memory_space<vmem>>
        %dma_wait3A_32 = arith.constant 0 : i32
        %dma_wait3A_33 = arith.constant 0 : i32
        %dma_wait3A_34 = tpu.memref_slice %arg10[%dma_wait3A_32, %dma_wait3A_33] : memref<10240x32xf32, #tpu.memory_space<vmem_shared>> -> memref<10240x32xf32, #tpu.memory_space<vmem_shared>>
        tpu.wait_indirect_dma semaphore(%run_scoped3A : memref<!tpu.dma_semaphore, #tpu.memory_space<semaphore_mem>>) src(%arg8 : memref<128x32xf32, #tpu.memory_space<vmem>>) dst(%dma_wait3A_34 : memref<10240x32xf32, #tpu.memory_space<vmem_shared>>)
        tpu.yield
      }) : () -> ()
    }
    %scan3A_18 = arith.constant 79 : i32
    %barrier3A_19 = arith.constant 0 : index
    tpu.barrier barrier_id(%barrier3A_19)
    %mul3A_20 = arith.constant 640 : i32
    %mul3A_21 = arith.muli %arg1, %mul3A_20 : i32
    "tpu.region"() ({
      %run_scoped3A = tpu.sem_alloc : memref<!tpu.dma_semaphore, #tpu.memory_space<semaphore_mem>>
      %dma_start3A = arith.constant 0 : i32
      %dma_start3A_24 = tpu.memref_slice %arg10[%mul3A_21, %dma_start3A] : memref<10240x32xf32, #tpu.memory_space<vmem_shared>> -> memref<640x32xf32, #tpu.memory_space<vmem_shared>>
      %dma_start3A_25 = arith.constant 0 : i32
      %dma_start3A_26 = tpu.memref_slice %arg10[%mul3A_21, %dma_start3A_25] : memref<10240x32xf32, #tpu.memory_space<vmem_shared>> -> memref<640x32xf32, #tpu.memory_space<vmem_shared>>
      tpu.enqueue_dma source(%dma_start3A_26 : memref<640x32xf32, #tpu.memory_space<vmem_shared>>) target(%arg9 : memref<640x32xf32, #tpu.memory_space<vmem>>) target_semaphore(%run_scoped3A : memref<!tpu.dma_semaphore, #tpu.memory_space<semaphore_mem>>)
      %dma_wait3A = arith.constant 0 : i32
      %dma_wait3A_27 = tpu.memref_slice %arg10[%mul3A_21, %dma_wait3A] : memref<10240x32xf32, #tpu.memory_space<vmem_shared>> -> memref<640x32xf32, #tpu.memory_space<vmem_shared>>
      %dma_wait3A_28 = arith.constant 0 : i32
      %dma_wait3A_29 = tpu.memref_slice %arg10[%mul3A_21, %dma_wait3A_28] : memref<10240x32xf32, #tpu.memory_space<vmem_shared>> -> memref<640x32xf32, #tpu.memory_space<vmem_shared>>
      tpu.wait_dma2 semaphore(%run_scoped3A : memref<!tpu.dma_semaphore, #tpu.memory_space<semaphore_mem>>) src(%dma_wait3A_29 : memref<640x32xf32, #tpu.memory_space<vmem_shared>>) dst(%arg9 : memref<640x32xf32, #tpu.memory_space<vmem>>)
      tpu.yield
    }) : () -> ()
    %mul3A_22 = arith.constant 640 : i32
    %mul3A_23 = arith.muli %arg1, %mul3A_22 : i32
    "tpu.region"() ({
      %run_scoped3A = tpu.sem_alloc : memref<!tpu.dma_semaphore, #tpu.memory_space<semaphore_mem>>
      %dma_start3A = arith.constant 0 : i32
      %dma_start3A_24 = tpu.memref_slice %arg5[%arg0, %mul3A_23, %dma_start3A] : memref<2x10240x32xf32, #tpu.memory_space<hbm>> -> memref<1x640x32xf32, #tpu.memory_space<hbm>>
      %dma_start3A_25 = tpu.memref_squeeze %dma_start3A_24 : memref<1x640x32xf32, #tpu.memory_space<hbm>> -> memref<640x32xf32, #tpu.memory_space<hbm>>
      %dma_start3A_26 = arith.constant 0 : i32
      %dma_start3A_27 = tpu.memref_slice %arg5[%arg0, %mul3A_23, %dma_start3A_26] : memref<2x10240x32xf32, #tpu.memory_space<hbm>> -> memref<1x640x32xf32, #tpu.memory_space<hbm>>
      %dma_start3A_28 = tpu.memref_squeeze %dma_start3A_27 : memref<1x640x32xf32, #tpu.memory_space<hbm>> -> memref<640x32xf32, #tpu.memory_space<hbm>>
      tpu.enqueue_dma source(%arg9 : memref<640x32xf32, #tpu.memory_space<vmem>>) target(%dma_start3A_28 : memref<640x32xf32, #tpu.memory_space<hbm>>) target_semaphore(%run_scoped3A : memref<!tpu.dma_semaphore, #tpu.memory_space<semaphore_mem>>)
      %dma_wait3A = arith.constant 0 : i32
      %dma_wait3A_29 = tpu.memref_slice %arg5[%arg0, %mul3A_23, %dma_wait3A] : memref<2x10240x32xf32, #tpu.memory_space<hbm>> -> memref<1x640x32xf32, #tpu.memory_space<hbm>>
      %dma_wait3A_30 = tpu.memref_squeeze %dma_wait3A_29 : memref<1x640x32xf32, #tpu.memory_space<hbm>> -> memref<640x32xf32, #tpu.memory_space<hbm>>
      %dma_wait3A_31 = arith.constant 0 : i32
      %dma_wait3A_32 = tpu.memref_slice %arg5[%arg0, %mul3A_23, %dma_wait3A_31] : memref<2x10240x32xf32, #tpu.memory_space<hbm>> -> memref<1x640x32xf32, #tpu.memory_space<hbm>>
      %dma_wait3A_33 = tpu.memref_squeeze %dma_wait3A_32 : memref<1x640x32xf32, #tpu.memory_space<hbm>> -> memref<640x32xf32, #tpu.memory_space<hbm>>
      tpu.wait_dma2 semaphore(%run_scoped3A : memref<!tpu.dma_semaphore, #tpu.memory_space<semaphore_mem>>) src(%arg9 : memref<640x32xf32, #tpu.memory_space<vmem>>) dst(%dma_wait3A_33 : memref<640x32xf32, #tpu.memory_space<hbm>>)
      tpu.yield
    }) : () -> ()
    return
  }
}

#map = affine_map<(d0, d1) -> (0, 0, 0)>
#map1 = affine_map<(d0, d1) -> (0)>
module attributes {stable_mosaic.version = 14 : i64} {
  func.func @k(%arg0: i32, %arg1: i32, %arg2: memref<32x79x128xi32, #tpu.memory_space<hbm>>, %arg3: memref<20480xf32, #tpu.memory_space<hbm>>, %arg4: memref<79x128xi32, #tpu.memory_space<vmem>>, %arg5: memref<128xf32, #tpu.memory_space<vmem>>, %arg6: memref<640xf32, #tpu.memory_space<vmem>>, %arg7: memref<10240xf32, #tpu.memory_space<vmem_shared>>) attributes {dimension_semantics = [#tpu.dimension_semantics<core_parallel>, #tpu.dimension_semantics<subcore_parallel>], iteration_bounds = array<i64: 2, 16>, scalar_prefetch = 0 : i64, scratch_operands = 4 : i64, tpu.core_type = #tpu.core_type<sc_vector_subcore>, window_params = [{transform_indices = #map}, {transform_indices = #map1}]} {
    %mul3A = arith.constant 16 : i32
    %mul3A_0 = arith.muli %arg0, %mul3A : i32
    %add3A = arith.addi %mul3A_0, %arg1 : i32
    %broadcast_in_dim3A = arith.constant 1.000000e+00 : f32
    %broadcast_in_dim3A_1 = vector.broadcast %broadcast_in_dim3A : f32 to vector<16xf32>
    %broadcast_in_dim3A_2 = arith.constant 0.000000e+00 : f32
    %broadcast_in_dim3A_3 = vector.broadcast %broadcast_in_dim3A_2 : f32 to vector<16xf32>
    %swap3A = arith.constant 0 : index
    %swap3A_4 = tpu.vector_load %arg5[%swap3A] {strides = array<i32>} : memref<128xf32, #tpu.memory_space<vmem>>, vector<16xf32>,
    %swap3A_5 = vector.shape_cast %swap3A_4 : vector<16xf32> to vector<16xf32>
    %swap3A_6 = vector.shape_cast %broadcast_in_dim3A_1 : vector<16xf32> to vector<16xf32>
    tpu.vector_store %arg5[%swap3A], %swap3A_6 {strides = array<i32>} : memref<128xf32, #tpu.memory_space<vmem>>, vector<16xf32>,
    %swap3A_7 = arith.constant 16 : index
    %swap3A_8 = tpu.vector_load %arg5[%swap3A_7] {strides = array<i32>} : memref<128xf32, #tpu.memory_space<vmem>>, vector<16xf32>,
    %swap3A_9 = vector.shape_cast %swap3A_8 : vector<16xf32> to vector<16xf32>
    %swap3A_10 = vector.shape_cast %broadcast_in_dim3A_1 : vector<16xf32> to vector<16xf32>
    tpu.vector_store %arg5[%swap3A_7], %swap3A_10 {strides = array<i32>} : memref<128xf32, #tpu.memory_space<vmem>>, vector<16xf32>,
    %swap3A_11 = arith.constant 32 : index
    %swap3A_12 = tpu.vector_load %arg5[%swap3A_11] {strides = array<i32>} : memref<128xf32, #tpu.memory_space<vmem>>, vector<16xf32>,
    %swap3A_13 = vector.shape_cast %swap3A_12 : vector<16xf32> to vector<16xf32>
    %swap3A_14 = vector.shape_cast %broadcast_in_dim3A_1 : vector<16xf32> to vector<16xf32>
    tpu.vector_store %arg5[%swap3A_11], %swap3A_14 {strides = array<i32>} : memref<128xf32, #tpu.memory_space<vmem>>, vector<16xf32>,
    %swap3A_15 = arith.constant 48 : index
    %swap3A_16 = tpu.vector_load %arg5[%swap3A_15] {strides = array<i32>} : memref<128xf32, #tpu.memory_space<vmem>>, vector<16xf32>,
    %swap3A_17 = vector.shape_cast %swap3A_16 : vector<16xf32> to vector<16xf32>
    %swap3A_18 = vector.shape_cast %broadcast_in_dim3A_1 : vector<16xf32> to vector<16xf32>
    tpu.vector_store %arg5[%swap3A_15], %swap3A_18 {strides = array<i32>} : memref<128xf32, #tpu.memory_space<vmem>>, vector<16xf32>,
    %swap3A_19 = arith.constant 64 : index
    %swap3A_20 = tpu.vector_load %arg5[%swap3A_19] {strides = array<i32>} : memref<128xf32, #tpu.memory_space<vmem>>, vector<16xf32>,
    %swap3A_21 = vector.shape_cast %swap3A_20 : vector<16xf32> to vector<16xf32>
    %swap3A_22 = vector.shape_cast %broadcast_in_dim3A_1 : vector<16xf32> to vector<16xf32>
    tpu.vector_store %arg5[%swap3A_19], %swap3A_22 {strides = array<i32>} : memref<128xf32, #tpu.memory_space<vmem>>, vector<16xf32>,
    %swap3A_23 = arith.constant 80 : index
    %swap3A_24 = tpu.vector_load %arg5[%swap3A_23] {strides = array<i32>} : memref<128xf32, #tpu.memory_space<vmem>>, vector<16xf32>,
    %swap3A_25 = vector.shape_cast %swap3A_24 : vector<16xf32> to vector<16xf32>
    %swap3A_26 = vector.shape_cast %broadcast_in_dim3A_1 : vector<16xf32> to vector<16xf32>
    tpu.vector_store %arg5[%swap3A_23], %swap3A_26 {strides = array<i32>} : memref<128xf32, #tpu.memory_space<vmem>>, vector<16xf32>,
    %swap3A_27 = arith.constant 96 : index
    %swap3A_28 = tpu.vector_load %arg5[%swap3A_27] {strides = array<i32>} : memref<128xf32, #tpu.memory_space<vmem>>, vector<16xf32>,
    %swap3A_29 = vector.shape_cast %swap3A_28 : vector<16xf32> to vector<16xf32>
    %swap3A_30 = vector.shape_cast %broadcast_in_dim3A_1 : vector<16xf32> to vector<16xf32>
    tpu.vector_store %arg5[%swap3A_27], %swap3A_30 {strides = array<i32>} : memref<128xf32, #tpu.memory_space<vmem>>, vector<16xf32>,
    %swap3A_31 = arith.constant 112 : index
    %swap3A_32 = tpu.vector_load %arg5[%swap3A_31] {strides = array<i32>} : memref<128xf32, #tpu.memory_space<vmem>>, vector<16xf32>,
    %swap3A_33 = vector.shape_cast %swap3A_32 : vector<16xf32> to vector<16xf32>
    %swap3A_34 = vector.shape_cast %broadcast_in_dim3A_1 : vector<16xf32> to vector<16xf32>
    tpu.vector_store %arg5[%swap3A_31], %swap3A_34 {strides = array<i32>} : memref<128xf32, #tpu.memory_space<vmem>>, vector<16xf32>,
    %scan3A = arith.constant 0 : i32
    %scan3A_35 = arith.constant 0 : i32
    %scan3A_36 = arith.constant 40 : i32
    %scan3A_37 = arith.addi %scan3A_35, %scan3A_36 : i32
    %scan3A_38 = arith.constant 1 : i32
    scf.for %scan3A_56 = %scan3A_35 to %scan3A_37 step %scan3A_38  : i32 {
      %mul3A_57 = arith.constant 16 : i32
      %mul3A_58 = arith.muli %scan3A_56, %mul3A_57 : i32
      %swap3A_59 = arith.index_cast %mul3A_58 : i32 to index
      %swap3A_60 = tpu.vector_load %arg6[%swap3A_59] {strides = array<i32>} : memref<640xf32, #tpu.memory_space<vmem>>, vector<16xf32>,
      %swap3A_61 = vector.shape_cast %swap3A_60 : vector<16xf32> to vector<16xf32>
      %swap3A_62 = vector.shape_cast %broadcast_in_dim3A_3 : vector<16xf32> to vector<16xf32>
      tpu.vector_store %arg6[%swap3A_59], %swap3A_62 {strides = array<i32>} : memref<640xf32, #tpu.memory_space<vmem>>, vector<16xf32>,
    }
    %scan3A_39 = arith.constant 40 : i32
    %mul3A_40 = arith.constant 640 : i32
    %mul3A_41 = arith.muli %arg1, %mul3A_40 : i32
    "tpu.region"() ({
      %run_scoped3A = tpu.sem_alloc : memref<!tpu.dma_semaphore, #tpu.memory_space<semaphore_mem>>
      %dma_start3A = tpu.memref_slice %arg7[%mul3A_41] : memref<10240xf32, #tpu.memory_space<vmem_shared>> -> memref<640xf32, #tpu.memory_space<vmem_shared>>
      %dma_start3A_56 = tpu.memref_slice %arg7[%mul3A_41] : memref<10240xf32, #tpu.memory_space<vmem_shared>> -> memref<640xf32, #tpu.memory_space<vmem_shared>>
      tpu.enqueue_dma source(%arg6 : memref<640xf32, #tpu.memory_space<vmem>>) target(%dma_start3A_56 : memref<640xf32, #tpu.memory_space<vmem_shared>>) target_semaphore(%run_scoped3A : memref<!tpu.dma_semaphore, #tpu.memory_space<semaphore_mem>>)
      %dma_wait3A = tpu.memref_slice %arg7[%mul3A_41] : memref<10240xf32, #tpu.memory_space<vmem_shared>> -> memref<640xf32, #tpu.memory_space<vmem_shared>>
      %dma_wait3A_57 = tpu.memref_slice %arg7[%mul3A_41] : memref<10240xf32, #tpu.memory_space<vmem_shared>> -> memref<640xf32, #tpu.memory_space<vmem_shared>>
      tpu.wait_dma2 semaphore(%run_scoped3A : memref<!tpu.dma_semaphore, #tpu.memory_space<semaphore_mem>>) src(%arg6 : memref<640xf32, #tpu.memory_space<vmem>>) dst(%dma_wait3A_57 : memref<640xf32, #tpu.memory_space<vmem_shared>>)
      tpu.yield
    }) : () -> ()
    %barrier3A = arith.constant 0 : index
    tpu.barrier barrier_id(%barrier3A)
    "tpu.region"() ({
      %run_scoped3A = tpu.sem_alloc : memref<!tpu.dma_semaphore, #tpu.memory_space<semaphore_mem>>
      %dma_start3A = arith.constant 0 : i32
      %dma_start3A_56 = arith.constant 0 : i32
      %dma_start3A_57 = tpu.memref_slice %arg2[%add3A, %dma_start3A, %dma_start3A_56] : memref<32x79x128xi32, #tpu.memory_space<hbm>> -> memref<1x79x128xi32, #tpu.memory_space<hbm>>
      %dma_start3A_58 = tpu.memref_squeeze %dma_start3A_57 : memref<1x79x128xi32, #tpu.memory_space<hbm>> -> memref<79x128xi32, #tpu.memory_space<hbm>>
      %dma_start3A_59 = arith.constant 0 : i32
      %dma_start3A_60 = arith.constant 0 : i32
      %dma_start3A_61 = tpu.memref_slice %arg2[%add3A, %dma_start3A_59, %dma_start3A_60] : memref<32x79x128xi32, #tpu.memory_space<hbm>> -> memref<1x79x128xi32, #tpu.memory_space<hbm>>
      %dma_start3A_62 = tpu.memref_squeeze %dma_start3A_61 : memref<1x79x128xi32, #tpu.memory_space<hbm>> -> memref<79x128xi32, #tpu.memory_space<hbm>>
      tpu.enqueue_dma source(%dma_start3A_62 : memref<79x128xi32, #tpu.memory_space<hbm>>) target(%arg4 : memref<79x128xi32, #tpu.memory_space<vmem>>) target_semaphore(%run_scoped3A : memref<!tpu.dma_semaphore, #tpu.memory_space<semaphore_mem>>)
      %dma_wait3A = arith.constant 0 : i32
      %dma_wait3A_63 = arith.constant 0 : i32
      %dma_wait3A_64 = tpu.memref_slice %arg2[%add3A, %dma_wait3A, %dma_wait3A_63] : memref<32x79x128xi32, #tpu.memory_space<hbm>> -> memref<1x79x128xi32, #tpu.memory_space<hbm>>
      %dma_wait3A_65 = tpu.memref_squeeze %dma_wait3A_64 : memref<1x79x128xi32, #tpu.memory_space<hbm>> -> memref<79x128xi32, #tpu.memory_space<hbm>>
      %dma_wait3A_66 = arith.constant 0 : i32
      %dma_wait3A_67 = arith.constant 0 : i32
      %dma_wait3A_68 = tpu.memref_slice %arg2[%add3A, %dma_wait3A_66, %dma_wait3A_67] : memref<32x79x128xi32, #tpu.memory_space<hbm>> -> memref<1x79x128xi32, #tpu.memory_space<hbm>>
      %dma_wait3A_69 = tpu.memref_squeeze %dma_wait3A_68 : memref<1x79x128xi32, #tpu.memory_space<hbm>> -> memref<79x128xi32, #tpu.memory_space<hbm>>
      tpu.wait_dma2 semaphore(%run_scoped3A : memref<!tpu.dma_semaphore, #tpu.memory_space<semaphore_mem>>) src(%dma_wait3A_69 : memref<79x128xi32, #tpu.memory_space<hbm>>) dst(%arg4 : memref<79x128xi32, #tpu.memory_space<vmem>>)
      tpu.yield
    }) : () -> ()
    %scan3A_42 = arith.constant 0 : i32
    %scan3A_43 = arith.constant 0 : i32
    %scan3A_44 = arith.constant 79 : i32
    %scan3A_45 = arith.addi %scan3A_43, %scan3A_44 : i32
    %scan3A_46 = arith.constant 1 : i32
    scf.for %scan3A_56 = %scan3A_43 to %scan3A_45 step %scan3A_46  : i32 {
      "tpu.region"() ({
        %run_scoped3A = tpu.sem_alloc : memref<!tpu.dma_semaphore, #tpu.memory_space<semaphore_mem>>
        %dma_start3A = arith.constant 0 : i32
        %dma_start3A_57 = tpu.memref_slice %arg4[%scan3A_56, %dma_start3A] : memref<79x128xi32, #tpu.memory_space<vmem>> -> memref<1x128xi32, #tpu.memory_space<vmem>>
        %dma_start3A_58 = tpu.memref_squeeze %dma_start3A_57 : memref<1x128xi32, #tpu.memory_space<vmem>> -> memref<128xi32, #tpu.memory_space<vmem>>
        %dma_start3A_59 = arith.constant 0 : i32
        %dma_start3A_60 = tpu.memref_slice %arg7[%dma_start3A_59] : memref<10240xf32, #tpu.memory_space<vmem_shared>> -> memref<10240xf32, #tpu.memory_space<vmem_shared>>
        tpu.enqueue_indirect_dma source(%arg5 : memref<128xf32, #tpu.memory_space<vmem>>) target(%dma_start3A_60 : memref<10240xf32, #tpu.memory_space<vmem_shared>>) offsets(%dma_start3A_58 : memref<128xi32, #tpu.memory_space<vmem>>) semaphore(%run_scoped3A : memref<!tpu.dma_semaphore, #tpu.memory_space<semaphore_mem>>) {add = true}
        %dma_wait3A = arith.constant 0 : i32
        %dma_wait3A_61 = tpu.memref_slice %arg4[%scan3A_56, %dma_wait3A] : memref<79x128xi32, #tpu.memory_space<vmem>> -> memref<1x128xi32, #tpu.memory_space<vmem>>
        %dma_wait3A_62 = tpu.memref_squeeze %dma_wait3A_61 : memref<1x128xi32, #tpu.memory_space<vmem>> -> memref<128xi32, #tpu.memory_space<vmem>>
        %dma_wait3A_63 = arith.constant 0 : i32
        %dma_wait3A_64 = tpu.memref_slice %arg7[%dma_wait3A_63] : memref<10240xf32, #tpu.memory_space<vmem_shared>> -> memref<10240xf32, #tpu.memory_space<vmem_shared>>
        tpu.wait_indirect_dma semaphore(%run_scoped3A : memref<!tpu.dma_semaphore, #tpu.memory_space<semaphore_mem>>) src(%arg5 : memref<128xf32, #tpu.memory_space<vmem>>) dst(%dma_wait3A_64 : memref<10240xf32, #tpu.memory_space<vmem_shared>>)
        tpu.yield
      }) : () -> ()
    }
    %scan3A_47 = arith.constant 79 : i32
    %barrier3A_48 = arith.constant 0 : index
    tpu.barrier barrier_id(%barrier3A_48)
    %mul3A_49 = arith.constant 640 : i32
    %mul3A_50 = arith.muli %arg1, %mul3A_49 : i32
    "tpu.region"() ({
      %run_scoped3A = tpu.sem_alloc : memref<!tpu.dma_semaphore, #tpu.memory_space<semaphore_mem>>
      %dma_start3A = tpu.memref_slice %arg7[%mul3A_50] : memref<10240xf32, #tpu.memory_space<vmem_shared>> -> memref<640xf32, #tpu.memory_space<vmem_shared>>
      %dma_start3A_56 = tpu.memref_slice %arg7[%mul3A_50] : memref<10240xf32, #tpu.memory_space<vmem_shared>> -> memref<640xf32, #tpu.memory_space<vmem_shared>>
      tpu.enqueue_dma source(%dma_start3A_56 : memref<640xf32, #tpu.memory_space<vmem_shared>>) target(%arg6 : memref<640xf32, #tpu.memory_space<vmem>>) target_semaphore(%run_scoped3A : memref<!tpu.dma_semaphore, #tpu.memory_space<semaphore_mem>>)
      %dma_wait3A = tpu.memref_slice %arg7[%mul3A_50] : memref<10240xf32, #tpu.memory_space<vmem_shared>> -> memref<640xf32, #tpu.memory_space<vmem_shared>>
      %dma_wait3A_57 = tpu.memref_slice %arg7[%mul3A_50] : memref<10240xf32, #tpu.memory_space<vmem_shared>> -> memref<640xf32, #tpu.memory_space<vmem_shared>>
      tpu.wait_dma2 semaphore(%run_scoped3A : memref<!tpu.dma_semaphore, #tpu.memory_space<semaphore_mem>>) src(%dma_wait3A_57 : memref<640xf32, #tpu.memory_space<vmem_shared>>) dst(%arg6 : memref<640xf32, #tpu.memory_space<vmem>>)
      tpu.yield
    }) : () -> ()
    %mul3A_51 = arith.constant 10240 : i32
    %mul3A_52 = arith.muli %arg0, %mul3A_51 : i32
    %mul3A_53 = arith.constant 640 : i32
    %mul3A_54 = arith.muli %arg1, %mul3A_53 : i32
    %add3A_55 = arith.addi %mul3A_52, %mul3A_54 : i32
    "tpu.region"() ({
      %run_scoped3A = tpu.sem_alloc : memref<!tpu.dma_semaphore, #tpu.memory_space<semaphore_mem>>
      %dma_start3A = tpu.memref_slice %arg3[%add3A_55] : memref<20480xf32, #tpu.memory_space<hbm>> -> memref<640xf32, #tpu.memory_space<hbm>>
      %dma_start3A_56 = tpu.memref_slice %arg3[%add3A_55] : memref<20480xf32, #tpu.memory_space<hbm>> -> memref<640xf32, #tpu.memory_space<hbm>>
      tpu.enqueue_dma source(%arg6 : memref<640xf32, #tpu.memory_space<vmem>>) target(%dma_start3A_56 : memref<640xf32, #tpu.memory_space<hbm>>) target_semaphore(%run_scoped3A : memref<!tpu.dma_semaphore, #tpu.memory_space<semaphore_mem>>)
      %dma_wait3A = tpu.memref_slice %arg3[%add3A_55] : memref<20480xf32, #tpu.memory_space<hbm>> -> memref<640xf32, #tpu.memory_space<hbm>>
      %dma_wait3A_57 = tpu.memref_slice %arg3[%add3A_55] : memref<20480xf32, #tpu.memory_space<hbm>> -> memref<640xf32, #tpu.memory_space<hbm>>
      tpu.wait_dma2 semaphore(%run_scoped3A : memref<!tpu.dma_semaphore, #tpu.memory_space<semaphore_mem>>) src(%arg6 : memref<640xf32, #tpu.memory_space<vmem>>) dst(%dma_wait3A_57 : memref<640xf32, #tpu.memory_space<hbm>>)
      tpu.yield
    }) : () -> ()
    return
  }
}

module attributes {stable_mosaic.version = 14 : i64} {
  func.func @_prescale_body(%arg0: i32, %arg1: memref<1000x128xf32, #tpu.memory_space<vmem>>, %arg2: memref<128x32xf32, #tpu.memory_space<vmem>>, %arg3: memref<2x1000x1xf32, #tpu.memory_space<vmem>>, %arg4: memref<1000x32xf32, #tpu.memory_space<vmem>>, %arg5: memref<1000x1xf32, #tpu.memory_space<vmem>>) attributes {dimension_semantics = [#tpu.dimension_semantics<arbitrary>], iteration_bounds = array<i64: 10>, scalar_prefetch = 0 : i64, scratch_operands = 0 : i64, tpu.core_type = #tpu.core_type<tc>, window_params = [{transform_indices = @transform_0, window_bounds = array<i64: 1000, 128>}, {pipeline_mode = #tpu.pipeline_mode<synchronous>, transform_indices = @transform_1, window_bounds = array<i64: 128, 32>}, {transform_indices = @transform_2, window_bounds = array<i64: 2, 1000, 1>}, {transform_indices = @transform_3, window_bounds = array<i64: 1000, 32>}, {transform_indices = @transform_4, window_bounds = array<i64: 1000, 1>}]} {
    %get3A = arith.constant 0 : index
    %get3A_0 = arith.constant 0 : index
    %get3A_1 = vector.load %arg1[%get3A, %get3A_0] : memref<1000x128xf32, #tpu.memory_space<vmem>>, vector<1000x128xf32>
    %get3A_2 = arith.constant 0 : index
    %get3A_3 = arith.constant 0 : index
    %get3A_4 = vector.load %arg2[%get3A_2, %get3A_3] : memref<128x32xf32, #tpu.memory_space<vmem>>, vector<128x32xf32>
    %dot_general3A = arith.constant dense<0.000000e+00> : vector<1000x32xf32>
    %dot_general3A_5 = tpu.matmul %get3A_1, %get3A_4, %dot_general3A {dimension_numbers = #tpu.dot_dimension_numbers<[1], [0], [0], [1], [0, 0, 1, 1], [], []>, transpose_lhs_hint = false} : vector<1000x128xf32>, vector<128x32xf32>, vector<1000x32xf32> -> vector<1000x32xf32>
    %get3A_6 = arith.constant 0 : index
    %get3A_7 = arith.constant 0 : index
    %get3A_8 = arith.constant 0 : index
    %get3A_9 = vector.load %arg3[%get3A_6, %get3A_7, %get3A_8] : memref<2x1000x1xf32, #tpu.memory_space<vmem>>, vector<1x1000x1xf32>
    %get3A_10 = vector.shape_cast %get3A_9 : vector<1x1000x1xf32> to vector<1000x1xf32>
    %get3A_11 = arith.constant 1 : index
    %get3A_12 = arith.constant 0 : index
    %get3A_13 = arith.constant 0 : index
    %get3A_14 = vector.load %arg3[%get3A_11, %get3A_12, %get3A_13] : memref<2x1000x1xf32, #tpu.memory_space<vmem>>, vector<1x1000x1xf32>
    %get3A_15 = vector.shape_cast %get3A_14 : vector<1x1000x1xf32> to vector<1000x1xf32>
    %add3A = arith.addf %get3A_10, %get3A_15 : vector<1000x1xf32>
    %add3A_16 = arith.constant 1.000000e+00 : f32
    %add3A_17 = vector.broadcast %add3A_16 : f32 to vector<1000x1xf32>
    %add3A_18 = arith.addf %add3A, %add3A_17 : vector<1000x1xf32>
    %rsqrt3A = math.rsqrt %add3A_18 : vector<1000x1xf32>
    %swap3A = arith.constant 0 : index
    %swap3A_19 = arith.constant 0 : index
    %swap3A_20 = vector.load %arg5[%swap3A, %swap3A_19] : memref<1000x1xf32, #tpu.memory_space<vmem>>, vector<1000x1xf32>
    tpu.vector_store %arg5[%swap3A, %swap3A_19], %rsqrt3A {strides = array<i32>} : memref<1000x1xf32, #tpu.memory_space<vmem>>, vector<1000x1xf32>,
    %mul3A = vector.broadcast %rsqrt3A : vector<1000x1xf32> to vector<1000x32xf32>
    %mul3A_21 = arith.mulf %dot_general3A_5, %mul3A : vector<1000x32xf32>
    %swap3A_22 = arith.constant 0 : index
    %swap3A_23 = arith.constant 0 : index
    %swap3A_24 = vector.load %arg4[%swap3A_22, %swap3A_23] : memref<1000x32xf32, #tpu.memory_space<vmem>>, vector<1000x32xf32>
    tpu.vector_store %arg4[%swap3A_22, %swap3A_23], %mul3A_21 {strides = array<i32>} : memref<1000x32xf32, #tpu.memory_space<vmem>>, vector<1000x32xf32>,
    return
  }
  func.func @transform_0(%arg0: i32) -> (i32, i32) {
    %c0_i32 = arith.constant 0 : i32
    %c0_i32_0 = arith.constant 0 : i32
    return %arg0, %c0_i32 : i32, i32
  }
  func.func @transform_1(%arg0: i32) -> (i32, i32) {
    %c0_i32 = arith.constant 0 : i32
    %c0_i32_0 = arith.constant 0 : i32
    %c0_i32_1 = arith.constant 0 : i32
    return %c0_i32, %c0_i32_0 : i32, i32
  }
  func.func @transform_2(%arg0: i32) -> (i32, i32, i32) {
    %c0_i32 = arith.constant 0 : i32
    %c0_i32_0 = arith.constant 0 : i32
    %c0_i32_1 = arith.constant 0 : i32
    return %c0_i32, %arg0, %c0_i32_0 : i32, i32, i32
  }
  func.func @transform_3(%arg0: i32) -> (i32, i32) {
    %c0_i32 = arith.constant 0 : i32
    %c0_i32_0 = arith.constant 0 : i32
    return %arg0, %c0_i32 : i32, i32
  }
  func.func @transform_4(%arg0: i32) -> (i32, i32) {
    %c0_i32 = arith.constant 0 : i32
    %c0_i32_0 = arith.constant 0 : i32
    return %arg0, %c0_i32 : i32, i32
  }
}

module attributes {stable_mosaic.version = 14 : i64} {
  func.func @body(%arg0: i32, %arg1: memref<2x1000x32xf32, #tpu.memory_space<vmem>>, %arg2: memref<1000x32xf32, #tpu.memory_space<vmem>>, %arg3: memref<1000x1xf32, #tpu.memory_space<vmem>>, %arg4: memref<1x1x1000xi32, #tpu.memory_space<vmem>>, %arg5: memref<32xf32, #tpu.memory_space<vmem>>, %arg6: memref<512x8xf32, #tpu.memory_space<vmem>>, %arg7: memref<32x8xf32, #tpu.memory_space<vmem>>, %arg8: memref<8xf32, #tpu.memory_space<vmem>>, %arg9: memref<32x8xf32, #tpu.memory_space<vmem>>, %arg10: memref<8xf32, #tpu.memory_space<vmem>>, %arg11: memref<8x100xf32, #tpu.memory_space<vmem>>, %arg12: memref<100xf32, #tpu.memory_space<vmem>>, %arg13: memref<512x100xf32, #tpu.memory_space<vmem>>, %arg14: memref<512x8xf32, #tpu.memory_space<vmem>>, %arg15: memref<512x8xf32, #tpu.memory_space<vmem>>, %arg16: memref<512x32xf32, #tpu.memory_space<vmem>>, %arg17: memref<512x1xf32, #tpu.memory_space<vmem>>) attributes {dimension_semantics = [#tpu.dimension_semantics<arbitrary>], iteration_bounds = array<i64: 10>, scalar_prefetch = 0 : i64, scratch_operands = 2 : i64, tpu.core_type = #tpu.core_type<tc>, window_params = [{transform_indices = @transform_0, window_bounds = array<i64: 2, 1000, 32>}, {transform_indices = @transform_1, window_bounds = array<i64: 1000, 32>}, {transform_indices = @transform_2, window_bounds = array<i64: 1000, 1>}, {transform_indices = @transform_3, window_bounds = array<i64: 1, 1, 1000>}, {pipeline_mode = #tpu.pipeline_mode<synchronous>, transform_indices = @transform_4, window_bounds = array<i64: 32>}, {pipeline_mode = #tpu.pipeline_mode<synchronous>, transform_indices = @transform_5, window_bounds = array<i64: 512, 8>}, {pipeline_mode = #tpu.pipeline_mode<synchronous>, transform_indices = @transform_6, window_bounds = array<i64: 32, 8>}, {pipeline_mode = #tpu.pipeline_mode<synchronous>, transform_indices = @transform_7, window_bounds = array<i64: 8>}, {pipeline_mode = #tpu.pipeline_mode<synchronous>, transform_indices = @transform_8, window_bounds = array<i64: 32, 8>}, {pipeline_mode = #tpu.pipeline_mode<synchronous>, transform_indices = @transform_9, window_bounds = array<i64: 8>}, {pipeline_mode = #tpu.pipeline_mode<synchronous>, transform_indices = @transform_10, window_bounds = array<i64: 8, 100>}, {pipeline_mode = #tpu.pipeline_mode<synchronous>, transform_indices = @transform_11, window_bounds = array<i64: 100>}, {pipeline_mode = #tpu.pipeline_mode<synchronous>, transform_indices = @transform_12, window_bounds = array<i64: 512, 100>}, {pipeline_mode = #tpu.pipeline_mode<synchronous>, transform_indices = @transform_13, window_bounds = array<i64: 512, 8>}, {pipeline_mode = #tpu.pipeline_mode<synchronous>, transform_indices = @transform_14, window_bounds = array<i64: 512, 8>}]} {
    %eq3A = arith.constant 0 : i32
    %eq3A_0 = arith.cmpi eq, %arg0, %eq3A : i32
    %convert_element_type3A = arith.extui %eq3A_0 : i1 to i32
    %cond3A = arith.constant 0 : i32
    %cond3A_1 = arith.cmpi ne, %convert_element_type3A, %cond3A : i32
    scf.if %cond3A_1 {
      %broadcast_in_dim3A_57 = arith.constant 0.000000e+00 : f32
      %broadcast_in_dim3A_58 = vector.broadcast %broadcast_in_dim3A_57 : f32 to vector<512x32xf32>
      %swap3A_59 = arith.constant 0 : index
      %swap3A_60 = arith.constant 0 : index
      %swap3A_61 = vector.load %arg16[%swap3A_59, %swap3A_60] : memref<512x32xf32, #tpu.memory_space<vmem>>, vector<512x32xf32>
      tpu.vector_store %arg16[%swap3A_59, %swap3A_60], %broadcast_in_dim3A_58 {strides = array<i32>} : memref<512x32xf32, #tpu.memory_space<vmem>>, vector<512x32xf32>,
      %broadcast_in_dim3A_62 = arith.constant 0.000000e+00 : f32
      %broadcast_in_dim3A_63 = vector.broadcast %broadcast_in_dim3A_62 : f32 to vector<512x1xf32>
      %swap3A_64 = arith.constant 0 : index
      %swap3A_65 = arith.constant 0 : index
      %swap3A_66 = vector.load %arg17[%swap3A_64, %swap3A_65] : memref<512x1xf32, #tpu.memory_space<vmem>>, vector<512x1xf32>
      tpu.vector_store %arg17[%swap3A_64, %swap3A_65], %broadcast_in_dim3A_63 {strides = array<i32>} : memref<512x1xf32, #tpu.memory_space<vmem>>, vector<512x1xf32>,
    } else {
    }
    %get3A = arith.constant 0 : index
    %get3A_2 = arith.constant 0 : index
    %get3A_3 = arith.constant 0 : index
    %get3A_4 = vector.load %arg1[%get3A, %get3A_2, %get3A_3] : memref<2x1000x32xf32, #tpu.memory_space<vmem>>, vector<1x1000x32xf32>
    %get3A_5 = vector.shape_cast %get3A_4 : vector<1x1000x32xf32> to vector<1000x32xf32>
    %get3A_6 = arith.constant 1 : index
    %get3A_7 = arith.constant 0 : index
    %get3A_8 = arith.constant 0 : index
    %get3A_9 = vector.load %arg1[%get3A_6, %get3A_7, %get3A_8] : memref<2x1000x32xf32, #tpu.memory_space<vmem>>, vector<1x1000x32xf32>
    %get3A_10 = vector.shape_cast %get3A_9 : vector<1x1000x32xf32> to vector<1000x32xf32>
    %add3A = arith.addf %get3A_5, %get3A_10 : vector<1000x32xf32>
    %get3A_11 = arith.constant 0 : index
    %get3A_12 = arith.constant 0 : index
    %get3A_13 = vector.load %arg3[%get3A_11, %get3A_12] : memref<1000x1xf32, #tpu.memory_space<vmem>>, vector<1000x1xf32>
    %get3A_14 = arith.constant 0 : index
    %get3A_15 = arith.constant 0 : index
    %get3A_16 = vector.load %arg2[%get3A_14, %get3A_15] : memref<1000x32xf32, #tpu.memory_space<vmem>>, vector<1000x32xf32>
    %add3A_17 = arith.addf %add3A, %get3A_16 : vector<1000x32xf32>
    %mul3A = vector.broadcast %get3A_13 : vector<1000x1xf32> to vector<1000x32xf32>
    %mul3A_18 = arith.mulf %mul3A, %add3A_17 : vector<1000x32xf32>
    %get3A_19 = arith.constant 0 : index
    %get3A_20 = vector.load %arg5[%get3A_19] : memref<32xf32, #tpu.memory_space<vmem>>, vector<32xf32>
    %broadcast_in_dim3A = vector.shape_cast %get3A_20 : vector<32xf32> to vector<1x32xf32>
    %add3A_21 = vector.broadcast %broadcast_in_dim3A : vector<1x32xf32> to vector<1000x32xf32>
    %add3A_22 = arith.addf %mul3A_18, %add3A_21 : vector<1000x32xf32>
    %max3A = arith.constant 0.000000e+00 : f32
    %max3A_23 = vector.broadcast %max3A : f32 to vector<1000x32xf32>
    %max3A_24 = arith.maximumf %add3A_22, %max3A_23 : vector<1000x32xf32>
    %get3A_25 = arith.constant 0 : index
    %get3A_26 = arith.constant 0 : index
    %get3A_27 = arith.constant 0 : index
    %get3A_28 = vector.load %arg4[%get3A_25, %get3A_26, %get3A_27] : memref<1x1x1000xi32, #tpu.memory_space<vmem>>, vector<1x1x1000xi32>
    %get3A_29 = vector.shape_cast %get3A_28 : vector<1x1x1000xi32> to vector<1x1000xi32>
    %iota3A = tpu.iota {dimensions = array<i32: 0>} : vector<512x1000xi32>
    %eq3A_30 = vector.broadcast %get3A_29 : vector<1x1000xi32> to vector<512x1000xi32>
    %eq3A_31 = arith.cmpi eq, %iota3A, %eq3A_30 : vector<512x1000xi32>
    %convert_element_type3A_32 = arith.extui %eq3A_31 : vector<512x1000xi1> to vector<512x1000xi32>
    %convert_element_type3A_33 = arith.sitofp %convert_element_type3A_32 : vector<512x1000xi32> to vector<512x1000xf32>
    %get3A_34 = arith.constant 0 : index
    %get3A_35 = arith.constant 0 : index
    %get3A_36 = vector.load %arg16[%get3A_34, %get3A_35] : memref<512x32xf32, #tpu.memory_space<vmem>>, vector<512x32xf32>
    %dot_general3A = arith.constant dense<0.000000e+00> : vector<512x32xf32>
    %dot_general3A_37 = tpu.matmul %convert_element_type3A_33, %max3A_24, %dot_general3A {dimension_numbers = #tpu.dot_dimension_numbers<[1], [0], [0], [1], [0, 0, 1, 1], [], []>, precision = #tpu.contract_precision<fp32>, transpose_lhs_hint = false} : vector<512x1000xf32>, vector<1000x32xf32>, vector<512x32xf32> -> vector<512x32xf32>
    %add3A_38 = arith.addf %get3A_36, %dot_general3A_37 : vector<512x32xf32>
    %swap3A = arith.constant 0 : index
    %swap3A_39 = arith.constant 0 : index
    %swap3A_40 = vector.load %arg16[%swap3A, %swap3A_39] : memref<512x32xf32, #tpu.memory_space<vmem>>, vector<512x32xf32>
    tpu.vector_store %arg16[%swap3A, %swap3A_39], %add3A_38 {strides = array<i32>} : memref<512x32xf32, #tpu.memory_space<vmem>>, vector<512x32xf32>,
    %get3A_41 = arith.constant 0 : index
    %get3A_42 = arith.constant 0 : index
    %get3A_43 = vector.load %arg17[%get3A_41, %get3A_42] : memref<512x1xf32, #tpu.memory_space<vmem>>, vector<512x1xf32>
    %broadcast_in_dim3A_44 = arith.constant 1.000000e+00 : f32
    %broadcast_in_dim3A_45 = vector.broadcast %broadcast_in_dim3A_44 : f32 to vector<1000x1xf32>
    %dot_general3A_46 = arith.constant dense<0.000000e+00> : vector<512x1xf32>
    %dot_general3A_47 = tpu.matmul %convert_element_type3A_33, %broadcast_in_dim3A_45, %dot_general3A_46 {dimension_numbers = #tpu.dot_dimension_numbers<[1], [0], [0], [1], [0, 0, 1, 1], [], []>, precision = #tpu.contract_precision<fp32>, transpose_lhs_hint = false} : vector<512x1000xf32>, vector<1000x1xf32>, vector<512x1xf32> -> vector<512x1xf32>
    %add3A_48 = arith.addf %get3A_43, %dot_general3A_47 : vector<512x1xf32>
    %swap3A_49 = arith.constant 0 : index
    %swap3A_50 = arith.constant 0 : index
    %swap3A_51 = vector.load %arg17[%swap3A_49, %swap3A_50] : memref<512x1xf32, #tpu.memory_space<vmem>>, vector<512x1xf32>
    tpu.vector_store %arg17[%swap3A_49, %swap3A_50], %add3A_48 {strides = array<i32>} : memref<512x1xf32, #tpu.memory_space<vmem>>, vector<512x1xf32>,
    %eq3A_52 = arith.constant 9 : i32
    %eq3A_53 = arith.cmpi eq, %arg0, %eq3A_52 : i32
    %convert_element_type3A_54 = arith.extui %eq3A_53 : i1 to i32
    %cond3A_55 = arith.constant 0 : i32
    %cond3A_56 = arith.cmpi ne, %convert_element_type3A_54, %cond3A_55 : i32
    scf.if %cond3A_56 {
      %get3A_57 = arith.constant 0 : index
      %get3A_58 = arith.constant 0 : index
      %get3A_59 = vector.load %arg16[%get3A_57, %get3A_58] : memref<512x32xf32, #tpu.memory_space<vmem>>, vector<512x32xf32>
      %get3A_60 = arith.constant 0 : index
      %get3A_61 = arith.constant 0 : index
      %get3A_62 = vector.load %arg17[%get3A_60, %get3A_61] : memref<512x1xf32, #tpu.memory_space<vmem>>, vector<512x1xf32>
      %max3A_63 = arith.constant 1.000000e+00 : f32
      %max3A_64 = vector.broadcast %max3A_63 : f32 to vector<512x1xf32>
      %max3A_65 = arith.maximumf %get3A_62, %max3A_64 : vector<512x1xf32>
      %div3A = vector.broadcast %max3A_65 : vector<512x1xf32> to vector<512x32xf32>
      %div3A_66 = arith.divf %get3A_59, %div3A : vector<512x32xf32>
      %get3A_67 = arith.constant 0 : index
      %get3A_68 = arith.constant 0 : index
      %get3A_69 = vector.load %arg7[%get3A_67, %get3A_68] : memref<32x8xf32, #tpu.memory_space<vmem>>, vector<32x8xf32>
      %dot_general3A_70 = arith.constant dense<0.000000e+00> : vector<512x8xf32>
      %dot_general3A_71 = tpu.matmul %div3A_66, %get3A_69, %dot_general3A_70 {dimension_numbers = #tpu.dot_dimension_numbers<[1], [0], [0], [1], [0, 0, 1, 1], [], []>, transpose_lhs_hint = false} : vector<512x32xf32>, vector<32x8xf32>, vector<512x8xf32> -> vector<512x8xf32>
      %get3A_72 = arith.constant 0 : index
      %get3A_73 = vector.load %arg8[%get3A_72] : memref<8xf32, #tpu.memory_space<vmem>>, vector<8xf32>
      %broadcast_in_dim3A_74 = vector.shape_cast %get3A_73 : vector<8xf32> to vector<1x8xf32>
      %add3A_75 = vector.broadcast %broadcast_in_dim3A_74 : vector<1x8xf32> to vector<512x8xf32>
      %add3A_76 = arith.addf %dot_general3A_71, %add3A_75 : vector<512x8xf32>
      %get3A_77 = arith.constant 0 : index
      %get3A_78 = arith.constant 0 : index
      %get3A_79 = vector.load %arg9[%get3A_77, %get3A_78] : memref<32x8xf32, #tpu.memory_space<vmem>>, vector<32x8xf32>
      %dot_general3A_80 = arith.constant dense<0.000000e+00> : vector<512x8xf32>
      %dot_general3A_81 = tpu.matmul %div3A_66, %get3A_79, %dot_general3A_80 {dimension_numbers = #tpu.dot_dimension_numbers<[1], [0], [0], [1], [0, 0, 1, 1], [], []>, transpose_lhs_hint = false} : vector<512x32xf32>, vector<32x8xf32>, vector<512x8xf32> -> vector<512x8xf32>
      %get3A_82 = arith.constant 0 : index
      %get3A_83 = vector.load %arg10[%get3A_82] : memref<8xf32, #tpu.memory_space<vmem>>, vector<8xf32>
      %broadcast_in_dim3A_84 = vector.shape_cast %get3A_83 : vector<8xf32> to vector<1x8xf32>
      %add3A_85 = vector.broadcast %broadcast_in_dim3A_84 : vector<1x8xf32> to vector<512x8xf32>
      %add3A_86 = arith.addf %dot_general3A_81, %add3A_85 : vector<512x8xf32>
      %mul3A_87 = arith.constant 5.000000e-01 : f32
      %mul3A_88 = vector.broadcast %mul3A_87 : f32 to vector<512x8xf32>
      %mul3A_89 = arith.mulf %mul3A_88, %add3A_86 : vector<512x8xf32>
      %exp3A = math.exp %mul3A_89 : vector<512x8xf32>
      %get3A_90 = arith.constant 0 : index
      %get3A_91 = arith.constant 0 : index
      %get3A_92 = vector.load %arg6[%get3A_90, %get3A_91] : memref<512x8xf32, #tpu.memory_space<vmem>>, vector<512x8xf32>
      %mul3A_93 = arith.mulf %get3A_92, %exp3A : vector<512x8xf32>
      %add3A_94 = arith.addf %add3A_76, %mul3A_93 : vector<512x8xf32>
      %get3A_95 = arith.constant 0 : index
      %get3A_96 = arith.constant 0 : index
      %get3A_97 = vector.load %arg11[%get3A_95, %get3A_96] : memref<8x100xf32, #tpu.memory_space<vmem>>, vector<8x100xf32>
      %dot_general3A_98 = arith.constant dense<0.000000e+00> : vector<512x100xf32>
      %dot_general3A_99 = tpu.matmul %add3A_94, %get3A_97, %dot_general3A_98 {dimension_numbers = #tpu.dot_dimension_numbers<[1], [0], [0], [1], [0, 0, 1, 1], [], []>, transpose_lhs_hint = false} : vector<512x8xf32>, vector<8x100xf32>, vector<512x100xf32> -> vector<512x100xf32>
      %get3A_100 = arith.constant 0 : index
      %get3A_101 = vector.load %arg12[%get3A_100] : memref<100xf32, #tpu.memory_space<vmem>>, vector<100xf32>
      %broadcast_in_dim3A_102 = vector.shape_cast %get3A_101 : vector<100xf32> to vector<1x100xf32>
      %add3A_103 = vector.broadcast %broadcast_in_dim3A_102 : vector<1x100xf32> to vector<512x100xf32>
      %add3A_104 = arith.addf %dot_general3A_99, %add3A_103 : vector<512x100xf32>
      %gt3A = arith.constant 0.000000e+00 : f32
      %gt3A_105 = vector.broadcast %gt3A : f32 to vector<512x100xf32>
      %gt3A_106 = arith.cmpf ogt, %add3A_104, %gt3A_105 : vector<512x100xf32>
      %convert_element_type3A_107 = arith.extui %gt3A_106 : vector<512x100xi1> to vector<512x100xi32>
      %convert_element_type3A_108 = arith.sitofp %convert_element_type3A_107 : vector<512x100xi32> to vector<512x100xf32>
      %swap3A_109 = arith.constant 0 : index
      %swap3A_110 = arith.constant 0 : index
      %swap3A_111 = vector.load %arg13[%swap3A_109, %swap3A_110] : memref<512x100xf32, #tpu.memory_space<vmem>>, vector<512x100xf32>
      tpu.vector_store %arg13[%swap3A_109, %swap3A_110], %convert_element_type3A_108 {strides = array<i32>} : memref<512x100xf32, #tpu.memory_space<vmem>>, vector<512x100xf32>,
      %swap3A_112 = arith.constant 0 : index
      %swap3A_113 = arith.constant 0 : index
      %swap3A_114 = vector.load %arg14[%swap3A_112, %swap3A_113] : memref<512x8xf32, #tpu.memory_space<vmem>>, vector<512x8xf32>
      tpu.vector_store %arg14[%swap3A_112, %swap3A_113], %add3A_76 {strides = array<i32>} : memref<512x8xf32, #tpu.memory_space<vmem>>, vector<512x8xf32>,
      %swap3A_115 = arith.constant 0 : index
      %swap3A_116 = arith.constant 0 : index
      %swap3A_117 = vector.load %arg15[%swap3A_115, %swap3A_116] : memref<512x8xf32, #tpu.memory_space<vmem>>, vector<512x8xf32>
      tpu.vector_store %arg15[%swap3A_115, %swap3A_116], %add3A_86 {strides = array<i32>} : memref<512x8xf32, #tpu.memory_space<vmem>>, vector<512x8xf32>,
    } else {
    }
    return
  }
  func.func @transform_0(%arg0: i32) -> (i32, i32, i32) {
    %c0_i32 = arith.constant 0 : i32
    %c0_i32_0 = arith.constant 0 : i32
    %c0_i32_1 = arith.constant 0 : i32
    return %c0_i32, %arg0, %c0_i32_0 : i32, i32, i32
  }
  func.func @transform_1(%arg0: i32) -> (i32, i32) {
    %c0_i32 = arith.constant 0 : i32
    %c0_i32_0 = arith.constant 0 : i32
    return %arg0, %c0_i32 : i32, i32
  }
  func.func @transform_2(%arg0: i32) -> (i32, i32) {
    %c0_i32 = arith.constant 0 : i32
    %c0_i32_0 = arith.constant 0 : i32
    return %arg0, %c0_i32 : i32, i32
  }
  func.func @transform_3(%arg0: i32) -> (i32, i32, i32) {
    %c0_i32 = arith.constant 0 : i32
    %c0_i32_0 = arith.constant 0 : i32
    %c0_i32_1 = arith.constant 0 : i32
    return %arg0, %c0_i32, %c0_i32_0 : i32, i32, i32
  }
  func.func @transform_4(%arg0: i32) -> i32 {
    %c0_i32 = arith.constant 0 : i32
    %c0_i32_0 = arith.constant 0 : i32
    return %c0_i32 : i32
  }
  func.func @transform_5(%arg0: i32) -> (i32, i32) {
    %c0_i32 = arith.constant 0 : i32
    %c0_i32_0 = arith.constant 0 : i32
    %c0_i32_1 = arith.constant 0 : i32
    return %c0_i32, %c0_i32_0 : i32, i32
  }
  func.func @transform_6(%arg0: i32) -> (i32, i32) {
    %c0_i32 = arith.constant 0 : i32
    %c0_i32_0 = arith.constant 0 : i32
    %c0_i32_1 = arith.constant 0 : i32
    return %c0_i32, %c0_i32_0 : i32, i32
  }
  func.func @transform_7(%arg0: i32) -> i32 {
    %c0_i32 = arith.constant 0 : i32
    %c0_i32_0 = arith.constant 0 : i32
    return %c0_i32 : i32
  }
  func.func @transform_8(%arg0: i32) -> (i32, i32) {
    %c0_i32 = arith.constant 0 : i32
    %c0_i32_0 = arith.constant 0 : i32
    %c0_i32_1 = arith.constant 0 : i32
    return %c0_i32, %c0_i32_0 : i32, i32
  }
  func.func @transform_9(%arg0: i32) -> i32 {
    %c0_i32 = arith.constant 0 : i32
    %c0_i32_0 = arith.constant 0 : i32
    return %c0_i32 : i32
  }
  func.func @transform_10(%arg0: i32) -> (i32, i32) {
    %c0_i32 = arith.constant 0 : i32
    %c0_i32_0 = arith.constant 0 : i32
    %c0_i32_1 = arith.constant 0 : i32
    return %c0_i32, %c0_i32_0 : i32, i32
  }
  func.func @transform_11(%arg0: i32) -> i32 {
    %c0_i32 = arith.constant 0 : i32
    %c0_i32_0 = arith.constant 0 : i32
    return %c0_i32 : i32
  }
  func.func @transform_12(%arg0: i32) -> (i32, i32) {
    %c0_i32 = arith.constant 0 : i32
    %c0_i32_0 = arith.constant 0 : i32
    %c0_i32_1 = arith.constant 0 : i32
    return %c0_i32, %c0_i32_0 : i32, i32
  }
  func.func @transform_13(%arg0: i32) -> (i32, i32) {
    %c0_i32 = arith.constant 0 : i32
    %c0_i32_0 = arith.constant 0 : i32
    %c0_i32_1 = arith.constant 0 : i32
    return %c0_i32, %c0_i32_0 : i32, i32
  }
  func.func @transform_14(%arg0: i32) -> (i32, i32) {
    %c0_i32 = arith.constant 0 : i32
    %c0_i32_0 = arith.constant 0 : i32
    %c0_i32_1 = arith.constant 0 : i32
    return %c0_i32, %c0_i32_0 : i32, i32
  }
}

</mosaic_0001>

<sc_bundles>
// kernel: kernel.6.cloned.1.call-start
scs
__scs_entry_jumppad:
0x0: {  	(pc) =	sbr.rel $0x88, $3  }
0x1: {  	(tag) =	ssettag $0x0;
	lr =	simm.s32 $0x1  }
0x2: {  	[smem:$0x3F96] =	sst lr;
	_ =	strace $0xD0000000  }
0x3: {  	_ = 	snop  }
0x4: {  	_ = 	snop  }
0x5: {  	_ = 	snop  }
0x6: {  	_ = 	snop  }
0x7: {  	_ = 	snop  }
__scs_overlays_trampoline_lowered:
0x8: {  	[smem:$0x3FA5] =	sst s0  }
0x9: {  	[smem:$0x3FA6] =	sst s1  }
0xa: {  	[smem:$0x3FA7] =	sst s2  }
0xb: {  	[smem:$0x3FA8] =	sst s3  }
0xc: {  	[smem:$0x3FA9] =	sst s4  }
0xd: {  	[smem:$0x3FAA] =	sst s5  }
0xe: {  	[smem:$0x3FAB] =	sst s6  }
0xf: {  	[smem:$0x3FAC] =	sst s7  }
0x10: {  	[smem:$0x3FAD] =	sst s8  }
0x11: {  	[smem:$0x3FAE] =	sst s9;
	s0 =	simm.s32 @!p0 $0x0  }
0x12: {  	s1 =	sld [smem:$0x3F94];
	s0 =	simm.s32 @p0 $0x1  }
0x13: {  	[smem:$0x3FAF] =	sst s0;
	s0 =	simm.s32 @!p1 $0x0  }
0x14: {  	s2 =	sld [smem:$0x3F93];
	s0 =	simm.s32 @p1 $0x1  }
0x15: {  	[smem:$0x3FB0] =	sst s0;
	s0 =	simm.s32 @!p2 $0x0  }
0x16: {  	s3 =	sld [smem:$0x3FDB];
	s0 =	simm.s32 @p2 $0x1  }
0x17: {  	s4 =	simm.s32 $0x1BF5;
	[smem:$0x3FB2] =	sst s0  }
0x18: {  	s0 =	sld [smem:$0x3F95];
	_ =	swait.ge [sflag:s4], $0x0  }
0x19: {  	s7 =	sld [smem:$0x3F96]  }
0x1a: {  	s8 =	sadd.s32 $0xFFFFE003, lr  }
0x1b: {  	s9 =	sadd.s32 $0xFFFFFEF7, lr;
	s5 =	simm.s32 $0xFFFFFFFF;
	p2 =	slt.u32 s8, $0xFFFFF086  }
0x1c: {  	p1 =	slt.u32 s9, $0xF7A;
	s5 =	simm.s32 @!p2 $0x0  }
0x1d: {  	s5 =	simm.s32 @p1 $0x1;
	p0 =	seq.s32 s7, s2  }
0x1e: {  	s7 =	smul.u32 @!p0 $0xF7A, s2;
	p2 =	seq.s32 @!p0 s5, $0x0  }
0x1f: {  	s9 =	smul.u32 $0xF7A, s1;
	s8 =	simm.s32 @!p0 $0x1BF5;
	p2 =	por !p2, p0  }
0x20: {  	[sflag:s8] =	ssyncset.s32 @!p0 $0xFFFFF086;
	s6 =	sadd.s32 @!p0 s3, s7;
	s7 =	simm.s32 @!p0 $0x108  }
0x21: {  	s3 =	sadd.s32 s3, s9;
	s6 =	sadd.s32 @!p0 $0x88, s6;
	s7 =	simm.s32 @p2 $0x1082  }
0x22: {  	[simem:s7], [sflag:s8] =	dma.local @!p0 [hbm:s6], $0xF7A  }
0x23: {  	s9 =	sor.u32 $0xD0000000, s2;
	s6 =	simm.s32 $0x108;
	_ =	swait.ge @!p0 [sflag:s8], $0x0  }
0x24: {  	s3 =	sadd.s32 $0x88, s3;
	s6 =	simm.s32 @!p1 $0x1082;
	[sflag:s4] =	ssyncset.s32 $0xFFFFF086  }
0x25: {  	[simem:s6], [sflag:s4] =	dma.local [hbm:s3], $0xF7A  }
0x26: {  	[smem:$0x3F96] =	sst s1;
	(tag) =	ssettag s2;
	_ =	strace s9  }
0x27: {  	s1 =	sld [smem:$0x3FA6]  }
0x28: {  	s2 =	sld [smem:$0x3FA7]  }
0x29: {  	s4 =	sld [smem:$0x3FA9]  }
0x2a: {  	p0 =	seq.s32 s5, $0x0;
	s5 =	sld [smem:$0x3FAA]  }
0x2b: {  	s6 =	sld [smem:$0x3FAB]  }
0x2c: {  	s7 =	sld [smem:$0x3FAC]  }
0x2d: {  	s3 =	simm.s32 $0x108;
	s8 =	sld [smem:$0x3FAD]  }
0x2e: {  	s3 =	simm.s32 @!p0 $0x1082;
	s9 =	sld [smem:$0x3FAE]  }
0x2f: {  	lr =	sadd.s32 s0, s3;
	s0 =	sld [smem:$0x3FA5]  }
0x30: {  	s3 =	sld [smem:$0x3FA8]  }
0x31: {  	[smem:$0x3FB1] =	sst s10  }
0x32: {  	s10 =	sld [smem:$0x3FAF];
	_ =	sdelay $0x3  }
0x33: {  	p0 =	seq.s32 s10, $0x1;
	s10 =	sld [smem:$0x3FB1];
	_ =	sdelay $0x3  }
0x34: {  	[smem:$0x3FB1] =	sst s10  }
0x35: {  	s10 =	sld [smem:$0x3FB0];
	_ =	sdelay $0x3  }
0x36: {  	p1 =	seq.s32 s10, $0x1;
	s10 =	sld [smem:$0x3FB1];
	_ =	sdelay $0x3  }
0x37: {  	[smem:$0x3FB1] =	sst s10  }
0x38: {  	s10 =	sld [smem:$0x3FB2]  }
0x39: {  	_ = 	snop;
	(pc) =	sbr.ind lr, $3  }
0x3a: {  	_ = 	snop  }
0x3b: {  	_ = 	snop  }
0x3c: {  	p2 =	seq.s32 s10, $0x1;
	s10 =	sld [smem:$0x3FB1]  }
0x3d: {  	_ =	shalt  }
0x3e: {  	_ =	shalt  }
0x3f: {  	_ =	shalt  }
0x40: {  	_ =	shalt  }
0x41: {  	_ =	shalt  }
0x42: {  	_ =	shalt  }
0x43: {  	_ =	shalt  }
0x44: {  	_ =	shalt  }
0x45: {  	_ =	shalt  }
0x46: {  	_ =	shalt  }
0x47: {  	_ =	shalt  }
0x48: {  	_ =	shalt  }
0x49: {  	_ =	shalt  }
0x4a: {  	_ =	shalt  }
0x4b: {  	_ =	shalt  }
0x4c: {  	_ =	shalt  }
0x4d: {  	_ =	shalt  }
0x4e: {  	_ =	shalt  }
0x4f: {  	_ =	shalt  }
0x50: {  	_ =	shalt  }
0x51: {  	_ =	shalt  }
0x52: {  	_ =	shalt  }
0x53: {  	_ =	shalt  }
0x54: {  	_ =	shalt  }
0x55: {  	_ =	shalt  }
0x56: {  	_ =	shalt  }
0x57: {  	_ =	shalt  }
0x58: {  	_ =	shalt  }
0x59: {  	_ =	shalt  }
0x5a: {  	_ =	shalt  }
0x5b: {  	_ =	shalt  }
0x5c: {  	_ =	shalt  }
0x5d: {  	_ =	shalt  }
0x5e: {  	_ =	shalt  }
0x5f: {  	_ =	shalt  }
0x60: {  	_ =	shalt  }
0x61: {  	_ =	shalt  }
0x62: {  	_ =	shalt  }
0x63: {  	_ =	shalt  }
0x64: {  	_ =	shalt  }
0x65: {  	_ =	shalt  }
0x66: {  	_ =	shalt  }
0x67: {  	_ =	shalt  }
0x68: {  	_ =	shalt  }
0x69: {  	_ =	shalt  }
0x6a: {  	_ =	shalt  }
0x6b: {  	_ =	shalt  }
0x6c: {  	_ =	shalt  }
0x6d: {  	_ =	shalt  }
0x6e: {  	_ =	shalt  }
0x6f: {  	_ =	shalt  }
0x70: {  	_ =	shalt  }
0x71: {  	_ =	shalt  }
0x72: {  	_ =	shalt  }
0x73: {  	_ =	shalt  }
0x74: {  	_ =	shalt  }
0x75: {  	_ =	shalt  }
0x76: {  	_ =	shalt  }
0x77: {  	_ =	shalt  }
0x78: {  	_ =	shalt  }
0x79: {  	_ =	shalt  }
0x7a: {  	_ =	shalt  }
0x7b: {  	_ =	shalt  }
0x7c: {  	_ =	shalt  }
0x7d: {  	_ =	shalt  }
0x7e: {  	_ =	shalt  }
0x7f: {  	_ =	shalt  }
0x80: {  	_ =	shalt  }
0x81: {  	_ =	shalt  }
0x82: {  	_ =	shalt  }
0x83: {  	_ =	shalt  }
0x84: {  	_ =	shalt  }
0x85: {  	_ =	shalt  }
0x86: {  	_ =	shalt  }
0x87: {  	_ =	shalt  }
.Lfunc_end0:
.L_simem_size_0:
called_computation_lowered:
.L_overlay_start_0:
0x88: {  	s2 =	sld [smem:$0x3FD9]  }
0x89: {  	s3 =	sld [smem:$0x3FFE];
	_ =	sdelay $0x1  }
0x8a: {  	s1 =	srdreg.scid  }
0x8b: {  	s0 =	sand.u32 $0x1, s1  }
0x8c: {  	s14 =	sshll.u32 s0, $0xA;
	s2 =	sadd.s32 s3, s2  }
0x8d: {  	s2 =	sadd.s32 s2, s14  }
0x8e: {  	[smem:$0x3FBD] =	sst s2  }
0x8f: {  	_ = 	snop  }
0x90: {  	s2 =	sld [smem:$0x3FD0];
	_ =	sdelay $0x2  }
0x91: {  	s15 =	simm.s32 $0xA;
	s4 =	simm.s32 $0x10  }
0x92: {  	[smem:s4], [sflag:s15] =	dma.local [hbm:s2], $0x1  }
0x93: {  	_ =	swait.eq [sflag:s15], $0x1  }
0x94: {  	[sflag:s15] =	ssyncset.done $0x0  }
0x95: {  	[sflag:s15] =	ssyncadd.s32 $0xFFFFFFFF  }
0x96: {  	s16 =	sld [smem:$0x10];
	(tm) =	ssettm $0x1  }
0x97: {  	s17 =	sld [smem:$0x3FFB];
	_ =	sdelay $0x3  }
0x98: {  	_ =	strace s17  }
0x99: {  	s3 =	sld [smem:$0x3FFC];
	_ =	sdelay $0x3  }
0x9a: {  	_ =	strace s3  }
0x9b: {  	s3 =	sld [smem:$0x3FFD];
	_ =	sdelay $0x3  }
0x9c: {  	_ =	strace s3  }
0x9d: {  	_ =	strace $0x8FFFFFFF  }
0x9e: {  	s18 =	sld [smem:$0x3FDB];
	_ =	sdelay $0x1  }
0x9f: {  	s19 =	simm.s32 $_scs_section_size  }
0xa0: {  	s5 =	simm.s32 $_size__tile_overlayer_lowered;
	s6 =	simm.s32 $_tile_overlayer_lowered  }
0xa1: {  	s22 =	simm.s32 $0x1BFF;
	s21 =	sshll.u32 s6, $0x1;
	s3 =	sadd.s32 s19, s18  }
0xa2: {  	s7 =	simm.s32 $0x0;
	s20 =	sshll.u32 s5, $0x1;
	s5 =	sadd.s32 s21, s3  }
0xa3: {  	[timem:s7], [sflag:s22] =	dma.local [hbm:s5], s20  }
0xa4: {  	_ =	swait.ge [sflag:s22], s20  }
0xa5: {  	s4 =	ssub.s32 $0x0, s20;
	[sflag:s22] =	ssyncset.done $0x0  }
0xa6: {  	[sflag:s22] =	ssyncadd.s32 s4;
	_ =	sdelay $0x1  }
0xa7: {  	s23 =	simm.s32 $0x1B8B  }
0xa8: {  	_ =	swait.ge [sflag:s23], $0x1  }
0xa9: {  	[sflag:s23] =	ssyncset.done $0x0  }
0xaa: {  	s25 =	simm.s32 $0x1B8E;
	s24 =	sld [smem:$0x3FFE];
	[sflag:s23] =	ssyncadd.s32 $0xFFFFFFFF  }
0xab: {  	s26 =	simm.s32 $execute0_lowered;
	[smem:$0x3FD2] =	sst s25  }
0xac: {  	s5 =	sshll.u32 s26, $0x1;
	_ =	strace $0x80000046;
	[dreg:$0x1] =	wrdreg $0xFFFFFFFF  }
0xad: {  	s28 =	simm.s32 $_size_execute0_lowered;
	s3 =	sadd.s32 s3, s5;
	[dreg:$0x0] =	wrdreg $0x0  }
0xae: {  	s5 =	sshll.u32 s28, $0x1;
	[dreg:$0x2] =	wrdreg s3  }
0xaf: {  	[dreg:$0x3] =	wrdreg s5  }
0xb0: {  	[dreg:$0x4] =	wrdreg $0xC0  }
0xb1: {  	_ =	task [dreg:s7], $0x5FFFF  }
0xb2: {  	[dreg:$0x1] =	wrdreg $0xFFFFFFFF  }
0xb3: {  	[dreg:$0x0] =	wrdreg $0x60  }
0xb4: {  	[dreg:$0x2] =	wrdreg s24  }
0xb5: {  	[dreg:$0x3] =	wrdreg s16  }
0xb6: {  	[dreg:$0x4] =	wrdreg $0x2A800  }
0xb7: {  	[dreg:$0x5] =	wrdreg $0x9  }
0xb8: {  	_ =	task.clear_ibuf [dreg:s7], $0x6FFFF;
	_ =	strace $0x90000046  }
0xb9: {  	s29 =	simm.s32 $0x9;
	_ =	strace $0x80000048  }
0xba: {  	_ =	swait.ge [sflag:s29], $0x1  }
0xbb: {  	[sflag:s29] =	ssyncadd.s32 $0xFFFFFFFF  }
0xbc: {  	_ =	strace $0x90000048  }
0xbd: {  	_ =	sfence  }
0xbe: {  	s30 =	sld [smem:$0x0];
	_ =	sdelay $0x2  }
0xbf: {  	s31 =	sshll.u32 s1, $0xD;
	s1 =	sshrl.u32 s1, $0x2  }
0xc0: {  	s3 =	sand.u32 $0x4000, s31;
	s1 =	sadd.s32 s1, s30  }
0xc1: {  	s0 =	sor.u32 s3, s0;
	s1 =	sshll.u32 s1, $0x11  }
0xc2: {  	s0 =	sor.u32 s1, s0  }
0xc3: {  	s0 =	sadd.s32 $0x8F2B, s0  }
0xc4: {  	[sflag:s0] =	ssyncadd.remote.s32 $0x1  }
0xc5: {  	_ =	sfence.sel $0xFFFF  }
0xc6: {  	[dreg:$0x0] =	wrdreg $0xFFFFFFFF;
	(pc) =	sbr.abs _section_cstart, $3  }
0xc7: {  	[dreg:$0x1] =	wrdreg $0xFFFFFFFF  }
0xc8: {  	_ =	task.clear_ibuf [dreg:s7], $0x2FFFF;
	_ =	strace $0x9FFFFFFF  }
0xc9: {  	(tm) =	ssettm $0x7FFFFFFF  }
tec
execute0_lowered:
.L_overlay_start_1:
0x0: {  	(tag) =	ssettag $0x1  }
0x1: {  	s4 =	rddreg [dreg:$0x0]  }
0x2: {  	s6 =	rddreg [dreg:$0x1];
	s0 =	srdreg.scid  }
0x3: {  	s2 =	rddreg [dreg:$0x2];
	s1 =	stileid.u32;
	s3 =	simm.s32 $0x0  }
0x4: {  	s11 =	simm.s32 $0x2780;
	s12 =	simm.s32 $0x0;
	s5 =	sand.u32 $0x1, s0  }
0x5: {  	s0 =	rddreg [dreg:$0x3];
	s8 =	smul.u32 $0x280, s1;
	s7 =	sshll.u32 s5, $0x4  }
0x6: {  	s9 =	smul.u32 $0x2800, s5;
	s5 =	ssub.s32 $0x2, s5;
	s7 =	sor.u32 s1, s7  }
0x7: {  	[smem:$0x7FF] =	sst s3;
	s10 =	sshrl.u32 s5, $0x1;
	s7 =	smul.u32 $0x4F0, s7  }
0x8: {  	_ =	strace $0x80000047;
	s9 =	sadd.s32 s8, s9;
	s10 =	ssub.s32 s5, s10  }
0x9: {  	s9 =	sshrl.u32 s9, $0x3;
	s7 =	sadd.s32 s7, s4;
	s4 =	sadd.s32 s8, s2  }
0xa: {  	s6 =	sadd.s32 s6, s9;
	s8 =	simm.s32 $0x2800;
	s9 =	simm.s32 $0x1  }
0xb: {  	v0 =	vimm.f32 $1.000000000e+00;
	v1 =	vimm.f32 $0.0e+00;
	s5 =	sadd.s32 $0x2000, s7;
	s7 =	smax.u32 s10, $0x1;
	s10 =	simm.s32 $0x80  }
.LBB2_1:
0xc: {  	[tilespmem:$0x2780] =	vst v0  }
0xd: {  	[tilespmem:$0x2790] =	vst v0  }
0xe: {  	[tilespmem:$0x27A0] =	vst v0  }
0xf: {  	[tilespmem:$0x27B0] =	vst v0  }
0x10: {  	[tilespmem:$0x27C0] =	vst v0  }
0x11: {  	[tilespmem:$0x27D0] =	vst v0  }
0x12: {  	[tilespmem:$0x27E0] =	vst v0  }
0x13: {  	[tilespmem:$0x27F0] =	vst v0  }
0x14: {  	[tilespmem:$0x2800] =	vst v1  }
0x15: {  	[tilespmem:$0x2810] =	vst v1  }
0x16: {  	[tilespmem:$0x2820] =	vst v1  }
0x17: {  	[tilespmem:$0x2830] =	vst v1  }
0x18: {  	[tilespmem:$0x2840] =	vst v1  }
0x19: {  	[tilespmem:$0x2850] =	vst v1  }
0x1a: {  	[tilespmem:$0x2860] =	vst v1  }
0x1b: {  	[tilespmem:$0x2870] =	vst v1  }
0x1c: {  	[tilespmem:$0x2880] =	vst v1  }
0x1d: {  	[tilespmem:$0x2890] =	vst v1  }
0x1e: {  	[tilespmem:$0x28A0] =	vst v1  }
0x1f: {  	[tilespmem:$0x28B0] =	vst v1  }
0x20: {  	[tilespmem:$0x28C0] =	vst v1  }
0x21: {  	[tilespmem:$0x28D0] =	vst v1  }
0x22: {  	[tilespmem:$0x28E0] =	vst v1  }
0x23: {  	[tilespmem:$0x28F0] =	vst v1  }
0x24: {  	[tilespmem:$0x2900] =	vst v1  }
0x25: {  	[tilespmem:$0x2910] =	vst v1  }
0x26: {  	[tilespmem:$0x2920] =	vst v1  }
0x27: {  	[tilespmem:$0x2930] =	vst v1  }
0x28: {  	[tilespmem:$0x2940] =	vst v1  }
0x29: {  	[tilespmem:$0x2950] =	vst v1  }
0x2a: {  	[tilespmem:$0x2960] =	vst v1  }
0x2b: {  	[tilespmem:$0x2970] =	vst v1  }
0x2c: {  	[tilespmem:$0x2980] =	vst v1  }
0x2d: {  	[tilespmem:$0x2990] =	vst v1  }
0x2e: {  	[tilespmem:$0x29A0] =	vst v1  }
0x2f: {  	[tilespmem:$0x29B0] =	vst v1  }
0x30: {  	[tilespmem:$0x29C0] =	vst v1  }
0x31: {  	[tilespmem:$0x29D0] =	vst v1  }
0x32: {  	[tilespmem:$0x29E0] =	vst v1  }
0x33: {  	[tilespmem:$0x29F0] =	vst v1  }
0x34: {  	[tilespmem:$0x2A00] =	vst v1  }
0x35: {  	[tilespmem:$0x2A10] =	vst v1  }
0x36: {  	[tilespmem:$0x2A20] =	vst v1  }
0x37: {  	[tilespmem:$0x2A30] =	vst v1  }
0x38: {  	[tilespmem:$0x2A40] =	vst v1  }
0x39: {  	[tilespmem:$0x2A50] =	vst v1  }
0x3a: {  	[tilespmem:$0x2A60] =	vst v1  }
0x3b: {  	[tilespmem:$0x2A70] =	vst v1  }
0x3c: {  	[spmem:s4] =	stream.linear.scatter [tilespmem:s8], [sflag:$0x1], $0x280, $0x38;
	[tilespmem:$0x2D00] =	vst v63  }
0x3d: {  	_ =	swait.ge [sflag:s9], $0x280  }
0x3e: {  	[sflag:s9] =	ssyncset.done $0x0  }
0x3f: {  	[sflag:s9] =	ssyncadd.s32 $0xFFFFFD80  }
0x40: {  	[bflag:$0x0] =	sbarrier.arrive $0xFFFF  }
0x41: {  	[tilespmem:s3], [sflag:$0x1] =	stream.linear.gather [hbm4b:s5+s3], $0x2780, $0x38;
	[tilespmem:$0x2D00] =	vst v63  }
0x42: {  	_ =	swait.ge [sflag:s9], $0x2780  }
0x43: {  	[sflag:s9] =	ssyncset.done $0x0  }
0x44: {  	s13 =	simm.s32 $0x0;
	[sflag:s9] =	ssyncadd.s32 $0xFFFFD880  }
0x45: {  	[spmem:s2] =	stream.indirect.scatter.add.f32 [tilespmem:s11], [sflag:$0x1], $0x1, s13, s10, $0xb8;
	[tilespmem:$0x2D00] =	vst v63  }
0x46: {  	_ =	swait.ge [sflag:s9], $0x80  }
0x47: {  	s13 =	simm.s32 $0x200;
	[sflag:s9] =	ssyncset.done $0x0  }
.LBB2_2:
0x48: {  	s14 =	sshra.s32 s13, $0x2;
	[sflag:s9] =	ssyncadd.s32 $0xFFFFFF80;
	p0 =	sne.s32 s13, $0x9C00  }
0x49: {  	[spmem:s2] =	stream.indirect.scatter.add.f32 [tilespmem:s11], [sflag:$0x1], $0x1, s14, s10, $0xb8;
	[tilespmem:$0x2D00] =	vst v63  }
.Ltmp0:
0x4a: {  	_ = 	snop;
	(pc) =	sbr.rel @p0 .LBB2_2-.Ltmp0, $4  }
0x4b: {  	_ = 	snop  }
0x4c: {  	s13 =	sadd.s32 $0x200, s13  }
0x4d: {  	_ =	swait.ge [sflag:s9], $0x80  }
0x4e: {  	[sflag:s9] =	ssyncset.done $0x0  }
0x4f: {  	[sflag:s9] =	ssyncadd.s32 $0xFFFFFF80  }
0x50: {  	[bflag:$0x0] =	sbarrier.arrive $0xFFFF  }
0x51: {  	[tilespmem:s8], [sflag:$0x1] =	stream.linear.gather [spmem:s4], $0x280, $0x38;
	[tilespmem:$0x2D00] =	vst v63  }
0x52: {  	s12 =	sadd.s32 $0x1, s12;
	_ =	swait.ge [sflag:s9], $0x280  }
0x53: {  	p0 =	sne.s32 s12, s7;
	[sflag:s9] =	ssyncset.done $0x0  }
.Ltmp1:
0x54: {  	[sflag:s9] =	ssyncadd.s32 $0xFFFFFD80;
	(pc) =	sbr.rel @p0 .LBB2_1-.Ltmp1, $4  }
0x55: {  	[hbm4b:s6+s3] =	stream.linear.scatter [tilespmem:s8], [sflag:$0x1], $0x280, $0x38;
	[tilespmem:$0x2D00] =	vst v63  }
0x56: {  	_ =	swait.ge [sflag:s9], $0x280  }
0x57: {  	[sflag:s9] =	ssyncset.done $0x0  }
0x58: {  	[sflag:s9] =	ssyncadd.s32 $0xFFFFFD80  }
0x59: {  	_ =	sfence.sel $0x180000  }
0x5a: {  	[bflag:$0x0] =	sbarrier.arrive $0xFFFF  }
0x5b: {  	p0 =	sne.s32 s1, $0x0;
	_ =	strace $0x90000047  }
0x5c: {  	s0 =	sadd.s32 @!p0 $0x100000, s0;
	[bflag:$0x2] =	sbarrier.arrive $0xFFFF  }
0x5d: {  	[sflag:s0] =	ssyncadd.tile.s32 @!p0 $0x1;
	_ =	shalt  }
.Lfunc_end2:
_tile_overlayer_lowered:
.L_overlay_start_2:
0x5e: {  	(tag) =	ssettag $0x2  }
0x5f: {  	s0 =	rddreg [dreg:$0x0];
	s2 =	stileid.u32  }
0x60: {  	s1 =	rddreg [dreg:$0x1];
	p0 =	sne.s32 s2, $0x0  }
0x61: {  	s3 =	rddreg [dreg:$0x2];
	[bflag:$0x3] =	sbarrier.arrive $0xFFFF;
	s2 =	simm.s32 @!p0 $0x1C01  }
0x62: {  	[timem:s3], [sflag:s2] =	dma.local @!p0 [hbm:s0], s1  }
0x63: {  	s0 =	simm.s32 @!p0 $0x1  }
0x64: {  	_ =	swait.ge @!p0 [sflag:s0], s1  }
0x65: {  	s1 =	ssub.s32 @!p0 $0x0, s1;
	[sflag:s0] =	ssyncset.done @!p0 $0x0  }
0x66: {  	[sflag:s0] =	ssyncadd.s32 @!p0 s1  }
0x67: {  	[bflag:$0x3] =	sbarrier.arrive $0xFFFF  }
0x68: {  	_ =	shalt  }

// kernel: kernel.9.cloned.1.call-start
scs
__scs_entry_jumppad:
0x0: {  	(pc) =	sbr.rel $0x88, $3  }
0x1: {  	(tag) =	ssettag $0x0;
	lr =	simm.s32 $0x1  }
0x2: {  	[smem:$0x3F96] =	sst lr;
	_ =	strace $0xD0000000  }
0x3: {  	_ = 	snop  }
0x4: {  	_ = 	snop  }
0x5: {  	_ = 	snop  }
0x6: {  	_ = 	snop  }
0x7: {  	_ = 	snop  }
__scs_overlays_trampoline_lowered:
0x8: {  	[smem:$0x3FA5] =	sst s0  }
0x9: {  	[smem:$0x3FA6] =	sst s1  }
0xa: {  	[smem:$0x3FA7] =	sst s2  }
0xb: {  	[smem:$0x3FA8] =	sst s3  }
0xc: {  	[smem:$0x3FA9] =	sst s4  }
0xd: {  	[smem:$0x3FAA] =	sst s5  }
0xe: {  	[smem:$0x3FAB] =	sst s6  }
0xf: {  	[smem:$0x3FAC] =	sst s7  }
0x10: {  	[smem:$0x3FAD] =	sst s8  }
0x11: {  	[smem:$0x3FAE] =	sst s9;
	s0 =	simm.s32 @!p0 $0x0  }
0x12: {  	s1 =	sld [smem:$0x3F94];
	s0 =	simm.s32 @p0 $0x1  }
0x13: {  	[smem:$0x3FAF] =	sst s0;
	s0 =	simm.s32 @!p1 $0x0  }
0x14: {  	s2 =	sld [smem:$0x3F93];
	s0 =	simm.s32 @p1 $0x1  }
0x15: {  	[smem:$0x3FB0] =	sst s0;
	s0 =	simm.s32 @!p2 $0x0  }
0x16: {  	s3 =	sld [smem:$0x3FDB];
	s0 =	simm.s32 @p2 $0x1  }
0x17: {  	s4 =	simm.s32 $0x1BF5;
	[smem:$0x3FB2] =	sst s0  }
0x18: {  	s0 =	sld [smem:$0x3F95];
	_ =	swait.ge [sflag:s4], $0x0  }
0x19: {  	s7 =	sld [smem:$0x3F96]  }
0x1a: {  	s8 =	sadd.s32 $0xFFFFE003, lr  }
0x1b: {  	s9 =	sadd.s32 $0xFFFFFEF7, lr;
	s5 =	simm.s32 $0xFFFFFFFF;
	p2 =	slt.u32 s8, $0xFFFFF086  }
0x1c: {  	p1 =	slt.u32 s9, $0xF7A;
	s5 =	simm.s32 @!p2 $0x0  }
0x1d: {  	s5 =	simm.s32 @p1 $0x1;
	p0 =	seq.s32 s7, s2  }
0x1e: {  	s7 =	smul.u32 @!p0 $0xF7A, s2;
	p2 =	seq.s32 @!p0 s5, $0x0  }
0x1f: {  	s9 =	smul.u32 $0xF7A, s1;
	s8 =	simm.s32 @!p0 $0x1BF5;
	p2 =	por !p2, p0  }
0x20: {  	[sflag:s8] =	ssyncset.s32 @!p0 $0xFFFFF086;
	s6 =	sadd.s32 @!p0 s3, s7;
	s7 =	simm.s32 @!p0 $0x108  }
0x21: {  	s3 =	sadd.s32 s3, s9;
	s6 =	sadd.s32 @!p0 $0x88, s6;
	s7 =	simm.s32 @p2 $0x1082  }
0x22: {  	[simem:s7], [sflag:s8] =	dma.local @!p0 [hbm:s6], $0xF7A  }
0x23: {  	s9 =	sor.u32 $0xD0000000, s2;
	s6 =	simm.s32 $0x108;
	_ =	swait.ge @!p0 [sflag:s8], $0x0  }
0x24: {  	s3 =	sadd.s32 $0x88, s3;
	s6 =	simm.s32 @!p1 $0x1082;
	[sflag:s4] =	ssyncset.s32 $0xFFFFF086  }
0x25: {  	[simem:s6], [sflag:s4] =	dma.local [hbm:s3], $0xF7A  }
0x26: {  	[smem:$0x3F96] =	sst s1;
	(tag) =	ssettag s2;
	_ =	strace s9  }
0x27: {  	s1 =	sld [smem:$0x3FA6]  }
0x28: {  	s2 =	sld [smem:$0x3FA7]  }
0x29: {  	s4 =	sld [smem:$0x3FA9]  }
0x2a: {  	p0 =	seq.s32 s5, $0x0;
	s5 =	sld [smem:$0x3FAA]  }
0x2b: {  	s6 =	sld [smem:$0x3FAB]  }
0x2c: {  	s7 =	sld [smem:$0x3FAC]  }
0x2d: {  	s3 =	simm.s32 $0x108;
	s8 =	sld [smem:$0x3FAD]  }
0x2e: {  	s3 =	simm.s32 @!p0 $0x1082;
	s9 =	sld [smem:$0x3FAE]  }
0x2f: {  	lr =	sadd.s32 s0, s3;
	s0 =	sld [smem:$0x3FA5]  }
0x30: {  	s3 =	sld [smem:$0x3FA8]  }
0x31: {  	[smem:$0x3FB1] =	sst s10  }
0x32: {  	s10 =	sld [smem:$0x3FAF];
	_ =	sdelay $0x3  }
0x33: {  	p0 =	seq.s32 s10, $0x1;
	s10 =	sld [smem:$0x3FB1];
	_ =	sdelay $0x3  }
0x34: {  	[smem:$0x3FB1] =	sst s10  }
0x35: {  	s10 =	sld [smem:$0x3FB0];
	_ =	sdelay $0x3  }
0x36: {  	p1 =	seq.s32 s10, $0x1;
	s10 =	sld [smem:$0x3FB1];
	_ =	sdelay $0x3  }
0x37: {  	[smem:$0x3FB1] =	sst s10  }
0x38: {  	s10 =	sld [smem:$0x3FB2]  }
0x39: {  	_ = 	snop;
	(pc) =	sbr.ind lr, $3  }
0x3a: {  	_ = 	snop  }
0x3b: {  	_ = 	snop  }
0x3c: {  	p2 =	seq.s32 s10, $0x1;
	s10 =	sld [smem:$0x3FB1]  }
0x3d: {  	_ =	shalt  }
0x3e: {  	_ =	shalt  }
0x3f: {  	_ =	shalt  }
0x40: {  	_ =	shalt  }
0x41: {  	_ =	shalt  }
0x42: {  	_ =	shalt  }
0x43: {  	_ =	shalt  }
0x44: {  	_ =	shalt  }
0x45: {  	_ =	shalt  }
0x46: {  	_ =	shalt  }
0x47: {  	_ =	shalt  }
0x48: {  	_ =	shalt  }
0x49: {  	_ =	shalt  }
0x4a: {  	_ =	shalt  }
0x4b: {  	_ =	shalt  }
0x4c: {  	_ =	shalt  }
0x4d: {  	_ =	shalt  }
0x4e: {  	_ =	shalt  }
0x4f: {  	_ =	shalt  }
0x50: {  	_ =	shalt  }
0x51: {  	_ =	shalt  }
0x52: {  	_ =	shalt  }
0x53: {  	_ =	shalt  }
0x54: {  	_ =	shalt  }
0x55: {  	_ =	shalt  }
0x56: {  	_ =	shalt  }
0x57: {  	_ =	shalt  }
0x58: {  	_ =	shalt  }
0x59: {  	_ =	shalt  }
0x5a: {  	_ =	shalt  }
0x5b: {  	_ =	shalt  }
0x5c: {  	_ =	shalt  }
0x5d: {  	_ =	shalt  }
0x5e: {  	_ =	shalt  }
0x5f: {  	_ =	shalt  }
0x60: {  	_ =	shalt  }
0x61: {  	_ =	shalt  }
0x62: {  	_ =	shalt  }
0x63: {  	_ =	shalt  }
0x64: {  	_ =	shalt  }
0x65: {  	_ =	shalt  }
0x66: {  	_ =	shalt  }
0x67: {  	_ =	shalt  }
0x68: {  	_ =	shalt  }
0x69: {  	_ =	shalt  }
0x6a: {  	_ =	shalt  }
0x6b: {  	_ =	shalt  }
0x6c: {  	_ =	shalt  }
0x6d: {  	_ =	shalt  }
0x6e: {  	_ =	shalt  }
0x6f: {  	_ =	shalt  }
0x70: {  	_ =	shalt  }
0x71: {  	_ =	shalt  }
0x72: {  	_ =	shalt  }
0x73: {  	_ =	shalt  }
0x74: {  	_ =	shalt  }
0x75: {  	_ =	shalt  }
0x76: {  	_ =	shalt  }
0x77: {  	_ =	shalt  }
0x78: {  	_ =	shalt  }
0x79: {  	_ =	shalt  }
0x7a: {  	_ =	shalt  }
0x7b: {  	_ =	shalt  }
0x7c: {  	_ =	shalt  }
0x7d: {  	_ =	shalt  }
0x7e: {  	_ =	shalt  }
0x7f: {  	_ =	shalt  }
0x80: {  	_ =	shalt  }
0x81: {  	_ =	shalt  }
0x82: {  	_ =	shalt  }
0x83: {  	_ =	shalt  }
0x84: {  	_ =	shalt  }
0x85: {  	_ =	shalt  }
0x86: {  	_ =	shalt  }
0x87: {  	_ =	shalt  }
.Lfunc_end0:
.L_simem_size_0:
called_computation.1_lowered:
.L_overlay_start_0:
0x88: {  	s2 =	sld [smem:$0x3FD9]  }
0x89: {  	s3 =	sld [smem:$0x3FFE];
	_ =	sdelay $0x1  }
0x8a: {  	s1 =	srdreg.scid  }
0x8b: {  	s0 =	sand.u32 $0x1, s1  }
0x8c: {  	s16 =	sshll.u32 s0, $0xA;
	s2 =	sadd.s32 s3, s2  }
0x8d: {  	s2 =	sadd.s32 s2, s16  }
0x8e: {  	[smem:$0x3FBD] =	sst s2  }
0x8f: {  	_ = 	snop  }
0x90: {  	(tm) =	ssettm $0x1  }
0x91: {  	s17 =	sld [smem:$0x3FFB];
	_ =	sdelay $0x3  }
0x92: {  	_ =	strace s17  }
0x93: {  	s2 =	sld [smem:$0x3FFC];
	_ =	sdelay $0x3  }
0x94: {  	_ =	strace s2  }
0x95: {  	s2 =	sld [smem:$0x3FFD];
	_ =	sdelay $0x3  }
0x96: {  	_ =	strace s2  }
0x97: {  	_ =	strace $0x8FFFFFFF  }
0x98: {  	s18 =	sld [smem:$0x3FDB];
	_ =	sdelay $0x1  }
0x99: {  	s19 =	simm.s32 $_scs_section_size  }
0x9a: {  	s4 =	simm.s32 $_size__tile_overlayer_lowered;
	s5 =	simm.s32 $_tile_overlayer_lowered  }
0x9b: {  	s22 =	simm.s32 $0x1BFF;
	s21 =	sshll.u32 s5, $0x1;
	s2 =	sadd.s32 s19, s18  }
0x9c: {  	s6 =	simm.s32 $0x0;
	s20 =	sshll.u32 s4, $0x1;
	s4 =	sadd.s32 s21, s2  }
0x9d: {  	[timem:s6], [sflag:s22] =	dma.local [hbm:s4], s20  }
0x9e: {  	_ =	swait.ge [sflag:s22], s20  }
0x9f: {  	s3 =	ssub.s32 $0x0, s20;
	[sflag:s22] =	ssyncset.done $0x0  }
0xa0: {  	[sflag:s22] =	ssyncadd.s32 s3;
	_ =	sdelay $0x1  }
0xa1: {  	s23 =	simm.s32 $0x1B8B  }
0xa2: {  	_ =	swait.ge [sflag:s23], $0x1  }
0xa3: {  	[sflag:s23] =	ssyncset.done $0x0  }
0xa4: {  	s25 =	simm.s32 $0x1B8E;
	s24 =	sld [smem:$0x3FFE];
	[sflag:s23] =	ssyncadd.s32 $0xFFFFFFFF  }
0xa5: {  	s26 =	simm.s32 $execute0_lowered;
	[smem:$0x3FD2] =	sst s25  }
0xa6: {  	s4 =	sshll.u32 s26, $0x1;
	_ =	strace $0x80000049;
	[dreg:$0x1] =	wrdreg $0xFFFFFFFF  }
0xa7: {  	s28 =	simm.s32 $_size_execute0_lowered;
	s2 =	sadd.s32 s2, s4;
	[dreg:$0x0] =	wrdreg $0x0  }
0xa8: {  	s4 =	sshll.u32 s28, $0x1;
	[dreg:$0x2] =	wrdreg s2  }
0xa9: {  	[dreg:$0x3] =	wrdreg s4  }
0xaa: {  	[dreg:$0x4] =	wrdreg $0xC0  }
0xab: {  	_ =	task [dreg:s6], $0x5FFFF  }
0xac: {  	[dreg:$0x1] =	wrdreg $0xFFFFFFFF  }
0xad: {  	[dreg:$0x0] =	wrdreg $0x60  }
0xae: {  	[dreg:$0x2] =	wrdreg s24  }
0xaf: {  	[dreg:$0x3] =	wrdreg $0xAF000  }
0xb0: {  	[dreg:$0x4] =	wrdreg $0xFF000  }
0xb1: {  	[dreg:$0x5] =	wrdreg $0x9  }
0xb2: {  	_ =	task.clear_ibuf [dreg:s6], $0x6FFFF;
	_ =	strace $0x90000049  }
0xb3: {  	s29 =	simm.s32 $0x9;
	_ =	strace $0x8000004B  }
0xb4: {  	_ =	swait.ge [sflag:s29], $0x1  }
0xb5: {  	[sflag:s29] =	ssyncadd.s32 $0xFFFFFFFF  }
0xb6: {  	_ =	strace $0x9000004B  }
0xb7: {  	_ =	sfence  }
0xb8: {  	s30 =	sld [smem:$0x0];
	_ =	sdelay $0x2  }
0xb9: {  	s31 =	sshll.u32 s1, $0xD;
	s1 =	sshrl.u32 s1, $0x2  }
0xba: {  	s3 =	sand.u32 $0x4000, s31;
	s1 =	sadd.s32 s1, s30  }
0xbb: {  	s0 =	sor.u32 s3, s0;
	s1 =	sshll.u32 s1, $0x11  }
0xbc: {  	s0 =	sor.u32 s1, s0  }
0xbd: {  	s0 =	sadd.s32 $0x8F2B, s0  }
0xbe: {  	[sflag:s0] =	ssyncadd.remote.s32 $0x1  }
0xbf: {  	_ =	sfence.sel $0xFFFF  }
0xc0: {  	[dreg:$0x0] =	wrdreg $0xFFFFFFFF;
	(pc) =	sbr.abs _section_cstart, $3  }
0xc1: {  	[dreg:$0x1] =	wrdreg $0xFFFFFFFF  }
0xc2: {  	_ =	task.clear_ibuf [dreg:s6], $0x2FFFF;
	_ =	strace $0x9FFFFFFF  }
0xc3: {  	(tm) =	ssettm $0x7FFFFFFF  }
tec
execute0_lowered:
.L_overlay_start_1:
0x0: {  	(tag) =	ssettag $0x1  }
0x1: {  	s5 =	rddreg [dreg:$0x0]  }
0x2: {  	s2 =	rddreg [dreg:$0x1]  }
0x3: {  	s3 =	rddreg [dreg:$0x2];
	s4 =	srdreg.scid  }
0x4: {  	s0 =	rddreg [dreg:$0x3];
	s1 =	stileid.u32;
	s14 =	simm.s32 $0x2780  }
0x5: {  	s15 =	simm.s32 $0x80;
	s16 =	simm.s32 $0x4F00;
	s17 =	simm.s32 $0x0  }
0x6: {  	s6 =	sand.u32 $0x1, s4;
	s4 =	simm.s32 $0x0;
	s7 =	smul.u32 $0x5000, s1  }
0x7: {  	s8 =	sshll.u32 s6, $0x4;
	[smem:$0x7FF] =	sst s4;
	s9 =	smul.u32 $0x50000, s6  }
0x8: {  	s6 =	ssub.s32 $0x2, s6;
	s8 =	sor.u32 s1, s8;
	_ =	strace $0x8000004A  }
0x9: {  	s10 =	sshrl.u32 s7, $0x3;
	s31 =	sshrl.u32 s6, $0x1;
	s8 =	smul.u32 $0x4F0, s8  }
0xa: {  	s10 =	sadd.s32 s10, s5;
	s9 =	sadd.s32 s7, s9;
	s13 =	ssub.s32 s6, s31  }
0xb: {  	s30 =	sshrl.u32 s9, $0x3;
	s6 =	sadd.s32 $0x15C00, s10;
	s11 =	sadd.s32 s8, s5  }
0xc: {  	s12 =	sadd.s32 s30, s5;
	s5 =	sadd.s32 s7, s2;
	s7 =	sadd.s32 s7, s3  }
0xd: {  	s8 =	sadd.s32 $0xBE00, s11;
	s9 =	sadd.s32 $0x2000, s11;
	s10 =	sadd.s32 $0x1FC00, s12  }
0xe: {  	v0 =	vimm.f32 $0.0e+00;
	s11 =	smax.u32 s13, $0x1;
	s12 =	simm.s32 $0x5F00;
	s13 =	simm.s32 $0x1  }
.LBB2_1:
0xf: {  	s18 =	simm.s32 $0x80;
	s19 =	simm.s32 $0x0  }
.LBB2_2:
0x10: {  	p0 =	sne.s32 s18, $0x13F80;
	[tilespmem:s19+$0x5F00] =	vst v0;
	s20 =	smov.u32 s18;
	s18 =	sadd.s32 $0x80, s18  }
.Ltmp0:
0x11: {  	[tilespmem:s19+$0x5F10] =	vst v0;
	(pc) =	sbr.rel @p0 .LBB2_2-.Ltmp0, $2  }
0x12: {  	_ =	sdelay $0x2  }
0x13: {  	s19 =	sshra.s32 s20, $0x2  }
0x14: {  	[tilespmem:s19+$0x5F00] =	vst v0  }
0x15: {  	[tilespmem:s19+$0x5F10] =	vst v0  }
0x16: {  	[spmem:s5] =	stream.linear.scatter [tilespmem:s12], [sflag:$0x1], $0x5000, $0x38;
	[tilespmem:$0x14F00] =	vst v63  }
0x17: {  	_ =	swait.ge [sflag:s13], $0x5000  }
0x18: {  	[sflag:s13] =	ssyncset.done $0x0  }
0x19: {  	s18 =	simm.s32 $0x0;
	[sflag:s13] =	ssyncadd.s32 $0xFFFFB000  }
0x1a: {  	[tilespmem:s12], [sflag:$0x1] =	stream.linear.gather [hbm4b:s6+s18], $0x5000, $0x38;
	[tilespmem:$0x14F00] =	vst v63  }
0x1b: {  	_ =	swait.ge [sflag:s13], $0x5000  }
0x1c: {  	[sflag:s13] =	ssyncset.done $0x0  }
0x1d: {  	[sflag:s13] =	ssyncadd.s32 $0xFFFFB000  }
0x1e: {  	[spmem:s7] =	stream.linear.scatter [tilespmem:s12], [sflag:$0x1], $0x5000, $0x38;
	[tilespmem:$0x14F00] =	vst v63  }
0x1f: {  	_ =	swait.ge [sflag:s13], $0x5000  }
0x20: {  	[sflag:s13] =	ssyncset.done $0x0  }
0x21: {  	[sflag:s13] =	ssyncadd.s32 $0xFFFFB000  }
0x22: {  	[bflag:$0x0] =	sbarrier.arrive $0xFFFF  }
0x23: {  	[tilespmem:s18], [sflag:$0x1] =	stream.linear.gather [hbm4b:s8+s18], $0x2780, $0x38;
	[tilespmem:$0x14F00] =	vst v63  }
0x24: {  	_ =	swait.ge [sflag:s13], $0x2780  }
0x25: {  	[sflag:s13] =	ssyncset.done $0x0  }
0x26: {  	[sflag:s13] =	ssyncadd.s32 $0xFFFFD880  }
0x27: {  	[tilespmem:s14], [sflag:$0x1] =	stream.linear.gather [hbm4b:s9+s18], $0x2780, $0x38;
	[tilespmem:$0x14F00] =	vst v63  }
0x28: {  	_ =	swait.ge [sflag:s13], $0x2780  }
0x29: {  	[sflag:s13] =	ssyncset.done $0x0  }
0x2a: {  	s30 =	simm.s32 $0x0;
	[sflag:s13] =	ssyncadd.s32 $0xFFFFD880  }
0x2b: {  	[tilespmem:s16], [sflag:$0x1] =	stream.indirect.gather [spmem:s3], $0x20, s30, s15, $0xb8;
	[tilespmem:$0x14F00] =	vst v63  }
0x2c: {  	_ =	swait.ge [sflag:s13], $0x1000  }
0x2d: {  	[sflag:s13] =	ssyncset.done $0x0  }
0x2e: {  	s31 =	simm.s32 $0x2780;
	[sflag:s13] =	ssyncadd.s32 $0xFFFFF000  }
0x2f: {  	[spmem:s2] =	stream.indirect.scatter.add.f32 [tilespmem:s16], [sflag:$0x1], $0x20, s31, s15, $0xb8;
	[tilespmem:$0x14F00] =	vst v63  }
0x30: {  	_ =	swait.ge [sflag:s13], $0x1000  }
0x31: {  	s19 =	simm.s32 $0x400;
	s18 =	simm.s32 $0x200;
	[sflag:s13] =	ssyncset.done $0x0  }
.LBB2_4:
0x32: {  	s20 =	sshra.s32 s18, $0x2  }
0x33: {  	[sflag:s13] =	ssyncadd.s32 $0xFFFFF000;
	s18 =	smov.u32 s19;
	s21 =	sadd.s32 $0x200, s19  }
0x34: {  	[tilespmem:s16], [sflag:$0x1] =	stream.indirect.gather [spmem:s3], $0x20, s20, s15, $0xb8;
	[tilespmem:$0x14F00] =	vst v63  }
0x35: {  	p0 =	sne.s32 s19, $0x9C00;
	_ =	swait.ge [sflag:s13], $0x1000  }
.Ltmp1:
0x36: {  	[sflag:s13] =	ssyncset.done $0x0;
	(pc) =	sbr.rel @p0 .LBB2_4-.Ltmp1, $4  }
0x37: {  	s19 =	sadd.s32 $0x2780, s20;
	[sflag:s13] =	ssyncadd.s32 $0xFFFFF000  }
0x38: {  	[spmem:s2] =	stream.indirect.scatter.add.f32 [tilespmem:s16], [sflag:$0x1], $0x20, s19, s15, $0xb8;
	[tilespmem:$0x14F00] =	vst v63  }
0x39: {  	_ =	swait.ge [sflag:s13], $0x1000  }
0x3a: {  	s19 =	smov.u32 s21;
	[sflag:s13] =	ssyncset.done $0x0  }
0x3b: {  	s18 =	sshra.s32 s18, $0x2;
	[sflag:s13] =	ssyncadd.s32 $0xFFFFF000  }
0x3c: {  	[tilespmem:s16], [sflag:$0x1] =	stream.indirect.gather [spmem:s3], $0x20, s18, s15, $0xb8;
	[tilespmem:$0x14F00] =	vst v63  }
0x3d: {  	_ =	swait.ge [sflag:s13], $0x1000  }
0x3e: {  	[sflag:s13] =	ssyncset.done $0x0  }
0x3f: {  	s18 =	sadd.s32 $0x2780, s18;
	[sflag:s13] =	ssyncadd.s32 $0xFFFFF000  }
0x40: {  	[spmem:s2] =	stream.indirect.scatter.add.f32 [tilespmem:s16], [sflag:$0x1], $0x20, s18, s15, $0xb8;
	[tilespmem:$0x14F00] =	vst v63  }
0x41: {  	_ =	swait.ge [sflag:s13], $0x1000  }
0x42: {  	[sflag:s13] =	ssyncset.done $0x0  }
0x43: {  	[sflag:s13] =	ssyncadd.s32 $0xFFFFF000  }
0x44: {  	[bflag:$0x0] =	sbarrier.arrive $0xFFFF  }
0x45: {  	[tilespmem:s12], [sflag:$0x1] =	stream.linear.gather [spmem:s5], $0x5000, $0x38;
	[tilespmem:$0x14F00] =	vst v63  }
0x46: {  	s17 =	sadd.s32 $0x1, s17;
	_ =	swait.ge [sflag:s13], $0x5000  }
0x47: {  	p0 =	sne.s32 s17, s11;
	[sflag:s13] =	ssyncset.done $0x0  }
.Ltmp2:
0x48: {  	[sflag:s13] =	ssyncadd.s32 $0xFFFFB000;
	(pc) =	sbr.rel @p0 .LBB2_1-.Ltmp2, $4  }
0x49: {  	[hbm4b:s10+s4] =	stream.linear.scatter [tilespmem:s12], [sflag:$0x1], $0x5000, $0x38;
	[tilespmem:$0x14F00] =	vst v63  }
0x4a: {  	_ =	swait.ge [sflag:s13], $0x5000  }
0x4b: {  	[sflag:s13] =	ssyncset.done $0x0  }
0x4c: {  	[sflag:s13] =	ssyncadd.s32 $0xFFFFB000  }
0x4d: {  	_ =	sfence.sel $0x180000  }
0x4e: {  	[bflag:$0x0] =	sbarrier.arrive $0xFFFF  }
0x4f: {  	p0 =	sne.s32 s1, $0x0;
	_ =	strace $0x9000004A  }
0x50: {  	s0 =	sadd.s32 @!p0 $0x100000, s0;
	[bflag:$0x2] =	sbarrier.arrive $0xFFFF  }
0x51: {  	[sflag:s0] =	ssyncadd.tile.s32 @!p0 $0x1;
	_ =	shalt  }
.Lfunc_end2:
_tile_overlayer_lowered:
.L_overlay_start_2:
0x52: {  	(tag) =	ssettag $0x2  }
0x53: {  	s0 =	rddreg [dreg:$0x0];
	s2 =	stileid.u32  }
0x54: {  	s1 =	rddreg [dreg:$0x1];
	p0 =	sne.s32 s2, $0x0  }
0x55: {  	s3 =	rddreg [dreg:$0x2];
	[bflag:$0x3] =	sbarrier.arrive $0xFFFF;
	s2 =	simm.s32 @!p0 $0x1C01  }
0x56: {  	[timem:s3], [sflag:s2] =	dma.local @!p0 [hbm:s0], s1  }
0x57: {  	s0 =	simm.s32 @!p0 $0x1  }
0x58: {  	_ =	swait.ge @!p0 [sflag:s0], s1  }
0x59: {  	s1 =	ssub.s32 @!p0 $0x0, s1;
	[sflag:s0] =	ssyncset.done @!p0 $0x0  }
0x5a: {  	[sflag:s0] =	ssyncadd.s32 @!p0 s1  }
0x5b: {  	[bflag:$0x3] =	sbarrier.arrive $0xFFFF  }
0x5c: {  	_ =	shalt  }

</sc_bundles>
